<compile_context>
chip_gen: v7x
topology: tpu7x:2x2x1
jax: 0.10.2.dev20260603
libtpu: 0.0.44.dev20260713+nightly
codegen_flags: <defaults>
</compile_context>

<pallas_src>
import functools

import jax
import jax.numpy as jnp
from jax import lax
from jax.experimental import pallas as pl
from jax.experimental.pallas import tpu as pltpu
from jax.experimental.pallas import tpu_sc as plsc

H_IMG = 1024
W_IMG = 2048
N_PTS = 1_000_000
NW = 32
WPER = 31_232
REM_BASE = NW * WPER
REM_FULL = 512
REM_TAIL = 64
CH = 7_808
NCH = WPER // CH
L = 16
UNROLL = 6


def _tec_body(points_hbm, depth_hbm, coef_hbm, tail_uv_hbm, out_hbm, tailq_hbm,
              uv_v0, uv_v1, idx_v0, idx_v1, d_v0, d_v1, q_v0, q_v1, coef_v,
              t_q, sem_in0, sem_in1, sem_g0, sem_g1, sem_out0, sem_out1):
    uv_v = (uv_v0, uv_v1)
    idx_v = (idx_v0, idx_v1)
    d_v = (d_v0, d_v1)
    q_v = (q_v0, q_v1)
    sem_in = (sem_in0, sem_in1)
    sem_g = (sem_g0, sem_g1)
    sem_out = (sem_out0, sem_out1)

    cid = lax.axis_index("c")
    sid = lax.axis_index("s")
    wid = sid * 2 + cid
    w_base = wid * WPER

    pltpu.sync_copy(coef_hbm, coef_v)
    m00 = coef_v[0]
    m01 = coef_v[1]
    m02 = coef_v[2]
    m03 = coef_v[3]
    m10 = coef_v[4]
    m11 = coef_v[5]
    m12 = coef_v[6]
    m13 = coef_v[7]
    m20 = coef_v[8]
    m21 = coef_v[9]
    m22 = coef_v[10]
    m23 = coef_v[11]

    def copyin_start(k):
        b = k & 1
        base = w_base + k * CH
        return pltpu.async_copy(points_hbm.at[:, pl.ds(base, CH)],
                                uv_v[b], sem_in[b])

    def idx_stage(k):
        b = k & 1

        def body(i, c):
            o = i * L
            u = uv_v[b][0, pl.ds(o, L)]
            v = uv_v[b][1, pl.ds(o, L)]
            idx_v[b][pl.ds(o, L)] = (v << 11) + u
            return c

        lax.fori_loop(0, CH // L, body, 0)

    def gather_start(k):
        b = k & 1
        return pltpu.async_copy(depth_hbm.at[idx_v[b]], d_v[b], sem_g[b])

    def compute(k):
        b = k & 1

        def body(i, c):
            o = i * L
            pu = uv_v[b][0, pl.ds(o, L)].astype(jnp.float32)
            pv = uv_v[b][1, pl.ds(o, L)].astype(jnp.float32)
            d = d_v[b][pl.ds(o, L)]
            pd0 = pu * d
            pd1 = pv * d
            x = m00 * pd0 + m01 * pd1 + m02 * d + m03
            y = m10 * pd0 + m11 * pd1 + m12 * d + m13
            z = m20 * pd0 + m21 * pd1 + m22 * d + m23
            q_v[b][0, pl.ds(o, L)] = x / z
            q_v[b][1, pl.ds(o, L)] = y / z
            return c

        lax.fori_loop(0, CH // L, body, 0)

    def copyout_start(k):
        b = k & 1
        base = w_base + k * CH
        return pltpu.async_copy(q_v[b], out_hbm.at[:, pl.ds(base, CH)],
                                sem_out[b])

    ins = {}
    gs = {}
    outs = {}
    ins[0] = copyin_start(0)
    ins[0].wait()
    idx_stage(0)
    gs[0] = gather_start(0)
    ins[1] = copyin_start(1)
    for k in range(NCH):
        if k + 1 < NCH:
            ins[k + 1].wait()
            idx_stage(k + 1)
        gs[k].wait()
        if k + 1 < NCH:
            gs[k + 1] = gather_start(k + 1)
        if k - 2 >= 0:
            outs[k - 2].wait()
        compute(k)
        outs[k] = copyout_start(k)
        if k + 2 < NCH:
            ins[k + 2] = copyin_start(k + 2)
    for k in (NCH - 2, NCH - 1):
        outs[k].wait()

    @pl.when(wid == NW - 1)
    def _():
        n = REM_FULL
        pltpu.sync_copy(points_hbm.at[:, pl.ds(REM_BASE, n)],
                        uv_v[0].at[:, pl.ds(0, n)])

        def tbody(i, c):
            o = i * L
            u = uv_v[0][0, pl.ds(o, L)]
            v = uv_v[0][1, pl.ds(o, L)]
            idx_v[0][pl.ds(o, L)] = (v << 11) + u
            return c

        lax.fori_loop(0, n // L, tbody, 0)
        pltpu.async_copy(depth_hbm.at[idx_v[0].at[pl.ds(0, n)]],
                         d_v[0].at[pl.ds(0, n)], sem_g[0]).wait()

        def tbody2(i, c):
            o = i * L
            pu = uv_v[0][0, pl.ds(o, L)].astype(jnp.float32)
            pv = uv_v[0][1, pl.ds(o, L)].astype(jnp.float32)
            d = d_v[0][pl.ds(o, L)]
            pd0 = pu * d
            pd1 = pv * d
            x = m00 * pd0 + m01 * pd1 + m02 * d + m03
            y = m10 * pd0 + m11 * pd1 + m12 * d + m13
            z = m20 * pd0 + m21 * pd1 + m22 * d + m23
            q_v[0][0, pl.ds(o, L)] = x / z
            q_v[0][1, pl.ds(o, L)] = y / z
            return c

        lax.fori_loop(0, n // L, tbody2, 0)
        pltpu.sync_copy(q_v[0].at[:, pl.ds(0, n)],
                        out_hbm.at[:, pl.ds(REM_BASE, n)])

    @pl.when(wid == NW - 2)
    def _():
        pltpu.sync_copy(tail_uv_hbm, idx_v[0].at[pl.ds(0, 2 * REM_TAIL)])

        def t3(i, c):
            o = i * L
            u = idx_v[0][pl.ds(o, L)]
            v = idx_v[0][pl.ds(REM_TAIL + o, L)]
            idx_v[0][pl.ds(2 * REM_TAIL + o, L)] = (v << 11) + u
            return c

        lax.fori_loop(0, REM_TAIL // L, t3, 0)
        pltpu.async_copy(depth_hbm.at[idx_v[0].at[pl.ds(2 * REM_TAIL, REM_TAIL)]],
                         d_v[0].at[pl.ds(0, REM_TAIL)], sem_g[0]).wait()

        def t4(i, c):
            o = i * L
            pu = idx_v[0][pl.ds(o, L)].astype(jnp.float32)
            pv = idx_v[0][pl.ds(REM_TAIL + o, L)].astype(jnp.float32)
            d = d_v[0][pl.ds(o, L)]
            pd0 = pu * d
            pd1 = pv * d
            x = m00 * pd0 + m01 * pd1 + m02 * d + m03
            y = m10 * pd0 + m11 * pd1 + m12 * d + m13
            z = m20 * pd0 + m21 * pd1 + m22 * d + m23
            t_q[pl.ds(o, L)] = x / z
            t_q[pl.ds(REM_TAIL + o, L)] = y / z
            return c

        lax.fori_loop(0, REM_TAIL // L, t4, 0)
        pltpu.sync_copy(t_q, tailq_hbm)


@jax.jit
def _reproject(points, depth_flat, coef):
    f = functools.partial(
        pl.kernel,
        mesh=plsc.VectorSubcoreMesh(core_axis_name="c", subcore_axis_name="s"),
        out_type=(jax.ShapeDtypeStruct((2, N_PTS), jnp.float32),
                  jax.ShapeDtypeStruct((2 * REM_TAIL,), jnp.float32)),
        scratch_types=[
            pltpu.VMEM((2, CH), jnp.int32),
            pltpu.VMEM((2, CH), jnp.int32),
            pltpu.VMEM((CH,), jnp.int32),
            pltpu.VMEM((CH,), jnp.int32),
            pltpu.VMEM((CH,), jnp.float32),
            pltpu.VMEM((CH,), jnp.float32),
            pltpu.VMEM((2, CH), jnp.float32),
            pltpu.VMEM((2, CH), jnp.float32),
            pltpu.VMEM((13, 16), jnp.float32),
            pltpu.VMEM((2 * REM_TAIL,), jnp.float32),
            pltpu.SemaphoreType.DMA,
            pltpu.SemaphoreType.DMA,
            pltpu.SemaphoreType.DMA,
            pltpu.SemaphoreType.DMA,
            pltpu.SemaphoreType.DMA,
            pltpu.SemaphoreType.DMA,
        ],
    )(_tec_body)
    tail_uv = points[:, REM_BASE + REM_FULL:].reshape(2 * REM_TAIL)
    main_out, tail_q = f(points, depth_flat, coef, tail_uv)
    return lax.dynamic_update_slice(
        main_out, tail_q.reshape(2, REM_TAIL), (0, REM_BASE + REM_FULL))


def kernel(points, depth_img, odometry):
    M = jnp.linalg.inv(odometry)
    c13 = jnp.concatenate([M[:3, :].reshape(12).astype(jnp.float32),
                           jnp.ones((1,), jnp.float32)])
    coef = jnp.broadcast_to(c13.reshape(13, 1), (13, 16))
    depth_flat = depth_img.reshape(-1)
    return _reproject(points, depth_flat, coef)

# --- scband reference (transcript-rebuilt; emitter-appended) ---
"""Pipeline reference for scband-reprojectorch-79989470920760 (READ-ONLY COPY).

The authoritative reference and input builder live on the scoring server;
editing this copy changes nothing except your own understanding.
"""

import jax, jax.numpy as jnp
import numpy as np


def setup_inputs(seed: int = 0) -> dict:
    key = jax.random.key(seed)
    k1, k2, k3 = jax.random.split(key, 3)
    # points: pixel coords [2, N], row 0 = u (< width=2048), row 1 = v (< height=1024)
    points = jax.random.randint(k1, (2, 1000000), 0, 1024, dtype=jnp.int32)
    # depth image [H, W]; uniform (0,1) so depth>0 almost surely (zero-depth filter is a no-op)
    depth_img = jax.random.uniform(k2, (1024, 2048), dtype=jnp.float32)
    # odometry: random invertible 4x4 (not identity, so cam_transform branch is taken)
    odometry = jax.random.normal(k3, (4, 4), dtype=jnp.float32)
    return {"points": points, "depth_img": depth_img, "odometry": odometry}


def reference(points, depth_img, odometry):
    # buffers from __init__ defaults: cam_model_src = cam_model_dst = eye(3), extrinsics = eye(4)
    cam_src = jnp.eye(3, dtype=jnp.float32)
    cam_dst = cam_src
    # _compute_cam_transform: i_extrinsics @ inv(odometry) @ extrinsics == inv(odometry)
    cam_transform = jnp.linalg.inv(odometry)
    # normalized src rays
    p0 = (points[0].astype(jnp.float32) - cam_src[0, 2]) / cam_src[0, 0]
    p1 = (points[1].astype(jnp.float32) - cam_src[1, 2]) / cam_src[1, 1]
    # gather depth at (v, u) = (points[1], points[0])  -- the memory-bound gather
    depth = depth_img[points[1], points[0]]
    P_src = jnp.stack([p0, p1, jnp.ones_like(p0)], axis=0) * depth[None, :]
    # Note: torch code filters columns where P_src[2]==0; depth is uniform(0,1) so all pass.
    P_dst = jnp.matmul(cam_transform[:3, :3], P_src) + cam_transform[:3, 3][:, None]
    q0 = P_dst[0, :] / P_dst[2, :] * cam_dst[0, 0] + cam_dst[0, 2]
    q1 = P_dst[1, :] / P_dst[2, :] * cam_dst[1, 1] + cam_dst[1, 2]
    q_dst = jnp.stack([q0, q1], axis=0)
    return q_dst

if __name__ == "__main__":
    import jax
    _d = setup_inputs()
    print(jax.jit(kernel)(*tuple(_d.values())))

</pallas_src>

<mosaic_0001>
#map = affine_map<(d0, d1) -> (0, 0)>
#map1 = affine_map<(d0, d1) -> (0)>
module attributes {stable_mosaic.version = 14 : i64} {
  func.func @_tec_body(%arg0: i32, %arg1: i32, %arg2: memref<2x1000000xi32, #tpu.memory_space<hbm>>, %arg3: memref<2097152xf32, #tpu.memory_space<hbm>>, %arg4: memref<13x16xf32, #tpu.memory_space<hbm>>, %arg5: memref<128xi32, #tpu.memory_space<hbm>>, %arg6: memref<2x1000000xf32, #tpu.memory_space<hbm>>, %arg7: memref<128xf32, #tpu.memory_space<hbm>>, %arg8: memref<2x7808xi32, #tpu.memory_space<vmem>>, %arg9: memref<2x7808xi32, #tpu.memory_space<vmem>>, %arg10: memref<7808xi32, #tpu.memory_space<vmem>>, %arg11: memref<7808xi32, #tpu.memory_space<vmem>>, %arg12: memref<7808xf32, #tpu.memory_space<vmem>>, %arg13: memref<7808xf32, #tpu.memory_space<vmem>>, %arg14: memref<2x7808xf32, #tpu.memory_space<vmem>>, %arg15: memref<2x7808xf32, #tpu.memory_space<vmem>>, %arg16: memref<13x16xf32, #tpu.memory_space<vmem>>, %arg17: memref<128xf32, #tpu.memory_space<vmem>>, %arg18: memref<!tpu.dma_semaphore, #tpu.memory_space<semaphore_mem>>, %arg19: memref<!tpu.dma_semaphore, #tpu.memory_space<semaphore_mem>>, %arg20: memref<!tpu.dma_semaphore, #tpu.memory_space<semaphore_mem>>, %arg21: memref<!tpu.dma_semaphore, #tpu.memory_space<semaphore_mem>>, %arg22: memref<!tpu.dma_semaphore, #tpu.memory_space<semaphore_mem>>, %arg23: memref<!tpu.dma_semaphore, #tpu.memory_space<semaphore_mem>>) attributes {dimension_semantics = [#tpu.dimension_semantics<core_parallel>, #tpu.dimension_semantics<subcore_parallel>], iteration_bounds = array<i64: 2, 16>, scalar_prefetch = 0 : i64, scratch_operands = 16 : i64, tpu.core_type = #tpu.core_type<sc_vector_subcore>, window_params = [{transform_indices = #map}, {transform_indices = #map1}, {transform_indices = #map}, {transform_indices = #map1}, {transform_indices = #map}, {transform_indices = #map1}]} {
    %mul3A = arith.constant 2 : i32
    %mul3A_0 = arith.muli %arg1, %mul3A : i32
    %add3A = arith.addi %mul3A_0, %arg0 : i32
    %mul3A_1 = arith.constant 31232 : i32
    %mul3A_2 = arith.muli %add3A, %mul3A_1 : i32
    "tpu.region"() ({
      %run_scoped3A = tpu.sem_alloc : memref<!tpu.dma_semaphore, #tpu.memory_space<semaphore_mem>>
      tpu.enqueue_dma source(%arg4 : memref<13x16xf32, #tpu.memory_space<hbm>>) target(%arg16 : memref<13x16xf32, #tpu.memory_space<vmem>>) target_semaphore(%run_scoped3A : memref<!tpu.dma_semaphore, #tpu.memory_space<semaphore_mem>>)
      tpu.wait_dma2 semaphore(%run_scoped3A : memref<!tpu.dma_semaphore, #tpu.memory_space<semaphore_mem>>) src(%arg4 : memref<13x16xf32, #tpu.memory_space<hbm>>) dst(%arg16 : memref<13x16xf32, #tpu.memory_space<vmem>>)
      tpu.yield
    }) : () -> ()
    %get3A = arith.constant 0 : i32
    %get3A_3 = arith.index_cast %get3A : i32 to index
    %get3A_4 = arith.constant 0 : index
    %get3A_5 = tpu.vector_load %arg16[%get3A_3, %get3A_4] {strides = array<i32>} : memref<13x16xf32, #tpu.memory_space<vmem>>, vector<1x16xf32>,
    %get3A_6 = vector.shape_cast %get3A_5 : vector<1x16xf32> to vector<16xf32>
    %get3A_7 = arith.constant 1 : i32
    %get3A_8 = arith.index_cast %get3A_7 : i32 to index
    %get3A_9 = arith.constant 0 : index
    %get3A_10 = tpu.vector_load %arg16[%get3A_8, %get3A_9] {strides = array<i32>} : memref<13x16xf32, #tpu.memory_space<vmem>>, vector<1x16xf32>,
    %get3A_11 = vector.shape_cast %get3A_10 : vector<1x16xf32> to vector<16xf32>
    %get3A_12 = arith.constant 2 : i32
    %get3A_13 = arith.index_cast %get3A_12 : i32 to index
    %get3A_14 = arith.constant 0 : index
    %get3A_15 = tpu.vector_load %arg16[%get3A_13, %get3A_14] {strides = array<i32>} : memref<13x16xf32, #tpu.memory_space<vmem>>, vector<1x16xf32>,
    %get3A_16 = vector.shape_cast %get3A_15 : vector<1x16xf32> to vector<16xf32>
    %get3A_17 = arith.constant 3 : i32
    %get3A_18 = arith.index_cast %get3A_17 : i32 to index
    %get3A_19 = arith.constant 0 : index
    %get3A_20 = tpu.vector_load %arg16[%get3A_18, %get3A_19] {strides = array<i32>} : memref<13x16xf32, #tpu.memory_space<vmem>>, vector<1x16xf32>,
    %get3A_21 = vector.shape_cast %get3A_20 : vector<1x16xf32> to vector<16xf32>
    %get3A_22 = arith.constant 4 : i32
    %get3A_23 = arith.index_cast %get3A_22 : i32 to index
    %get3A_24 = arith.constant 0 : index
    %get3A_25 = tpu.vector_load %arg16[%get3A_23, %get3A_24] {strides = array<i32>} : memref<13x16xf32, #tpu.memory_space<vmem>>, vector<1x16xf32>,
    %get3A_26 = vector.shape_cast %get3A_25 : vector<1x16xf32> to vector<16xf32>
    %get3A_27 = arith.constant 5 : i32
    %get3A_28 = arith.index_cast %get3A_27 : i32 to index
    %get3A_29 = arith.constant 0 : index
    %get3A_30 = tpu.vector_load %arg16[%get3A_28, %get3A_29] {strides = array<i32>} : memref<13x16xf32, #tpu.memory_space<vmem>>, vector<1x16xf32>,
    %get3A_31 = vector.shape_cast %get3A_30 : vector<1x16xf32> to vector<16xf32>
    %get3A_32 = arith.constant 6 : i32
    %get3A_33 = arith.index_cast %get3A_32 : i32 to index
    %get3A_34 = arith.constant 0 : index
    %get3A_35 = tpu.vector_load %arg16[%get3A_33, %get3A_34] {strides = array<i32>} : memref<13x16xf32, #tpu.memory_space<vmem>>, vector<1x16xf32>,
    %get3A_36 = vector.shape_cast %get3A_35 : vector<1x16xf32> to vector<16xf32>
    %get3A_37 = arith.constant 7 : i32
    %get3A_38 = arith.index_cast %get3A_37 : i32 to index
    %get3A_39 = arith.constant 0 : index
    %get3A_40 = tpu.vector_load %arg16[%get3A_38, %get3A_39] {strides = array<i32>} : memref<13x16xf32, #tpu.memory_space<vmem>>, vector<1x16xf32>,
    %get3A_41 = vector.shape_cast %get3A_40 : vector<1x16xf32> to vector<16xf32>
    %get3A_42 = arith.constant 8 : i32
    %get3A_43 = arith.index_cast %get3A_42 : i32 to index
    %get3A_44 = arith.constant 0 : index
    %get3A_45 = tpu.vector_load %arg16[%get3A_43, %get3A_44] {strides = array<i32>} : memref<13x16xf32, #tpu.memory_space<vmem>>, vector<1x16xf32>,
    %get3A_46 = vector.shape_cast %get3A_45 : vector<1x16xf32> to vector<16xf32>
    %get3A_47 = arith.constant 9 : i32
    %get3A_48 = arith.index_cast %get3A_47 : i32 to index
    %get3A_49 = arith.constant 0 : index
    %get3A_50 = tpu.vector_load %arg16[%get3A_48, %get3A_49] {strides = array<i32>} : memref<13x16xf32, #tpu.memory_space<vmem>>, vector<1x16xf32>,
    %get3A_51 = vector.shape_cast %get3A_50 : vector<1x16xf32> to vector<16xf32>
    %get3A_52 = arith.constant 10 : i32
    %get3A_53 = arith.index_cast %get3A_52 : i32 to index
    %get3A_54 = arith.constant 0 : index
    %get3A_55 = tpu.vector_load %arg16[%get3A_53, %get3A_54] {strides = array<i32>} : memref<13x16xf32, #tpu.memory_space<vmem>>, vector<1x16xf32>,
    %get3A_56 = vector.shape_cast %get3A_55 : vector<1x16xf32> to vector<16xf32>
    %get3A_57 = arith.constant 11 : i32
    %get3A_58 = arith.index_cast %get3A_57 : i32 to index
    %get3A_59 = arith.constant 0 : index
    %get3A_60 = tpu.vector_load %arg16[%get3A_58, %get3A_59] {strides = array<i32>} : memref<13x16xf32, #tpu.memory_space<vmem>>, vector<1x16xf32>,
    %get3A_61 = vector.shape_cast %get3A_60 : vector<1x16xf32> to vector<16xf32>
    %add3A_62 = arith.constant 0 : i32
    %add3A_63 = arith.addi %mul3A_2, %add3A_62 : i32
    %dma_start3A = arith.constant 0 : i32
    %dma_start3A_64 = tpu.memref_slice %arg2[%dma_start3A, %add3A_63] : memref<2x1000000xi32, #tpu.memory_space<hbm>> -> memref<2x7808xi32, #tpu.memory_space<hbm>>
    %dma_start3A_65 = arith.constant 0 : i32
    %dma_start3A_66 = tpu.memref_slice %arg2[%dma_start3A_65, %add3A_63] : memref<2x1000000xi32, #tpu.memory_space<hbm>> -> memref<2x7808xi32, #tpu.memory_space<hbm>>
    tpu.enqueue_dma source(%dma_start3A_66 : memref<2x7808xi32, #tpu.memory_space<hbm>>) target(%arg8 : memref<2x7808xi32, #tpu.memory_space<vmem>>) target_semaphore(%arg18 : memref<!tpu.dma_semaphore, #tpu.memory_space<semaphore_mem>>)
    %dma_wait3A = arith.constant 0 : i32
    %dma_wait3A_67 = tpu.memref_slice %arg2[%dma_wait3A, %add3A_63] : memref<2x1000000xi32, #tpu.memory_space<hbm>> -> memref<2x7808xi32, #tpu.memory_space<hbm>>
    %dma_wait3A_68 = arith.constant 0 : i32
    %dma_wait3A_69 = tpu.memref_slice %arg2[%dma_wait3A_68, %add3A_63] : memref<2x1000000xi32, #tpu.memory_space<hbm>> -> memref<2x7808xi32, #tpu.memory_space<hbm>>
    tpu.wait_dma2 semaphore(%arg18 : memref<!tpu.dma_semaphore, #tpu.memory_space<semaphore_mem>>) src(%dma_wait3A_69 : memref<2x7808xi32, #tpu.memory_space<hbm>>) dst(%arg8 : memref<2x7808xi32, #tpu.memory_space<vmem>>)
    %scan3A = arith.constant 0 : i32
    %scan3A_70 = arith.constant 0 : i32
    %scan3A_71 = arith.constant 488 : i32
    %scan3A_72 = arith.addi %scan3A_70, %scan3A_71 : i32
    %scan3A_73 = arith.constant 1 : i32
    scf.for %scan3A_210 = %scan3A_70 to %scan3A_72 step %scan3A_73  : i32 {
      %mul3A_211 = arith.constant 16 : i32
      %mul3A_212 = arith.muli %scan3A_210, %mul3A_211 : i32
      %get3A_213 = arith.constant 0 : i32
      %get3A_214 = arith.index_cast %get3A_213 : i32 to index
      %get3A_215 = arith.index_cast %mul3A_212 : i32 to index
      %get3A_216 = tpu.vector_load %arg8[%get3A_214, %get3A_215] {strides = array<i32>} : memref<2x7808xi32, #tpu.memory_space<vmem>>, vector<1x16xi32>,
      %get3A_217 = vector.shape_cast %get3A_216 : vector<1x16xi32> to vector<16xi32>
      %get3A_218 = arith.constant 1 : i32
      %get3A_219 = arith.index_cast %get3A_218 : i32 to index
      %get3A_220 = arith.index_cast %mul3A_212 : i32 to index
      %get3A_221 = tpu.vector_load %arg8[%get3A_219, %get3A_220] {strides = array<i32>} : memref<2x7808xi32, #tpu.memory_space<vmem>>, vector<1x16xi32>,
      %get3A_222 = vector.shape_cast %get3A_221 : vector<1x16xi32> to vector<16xi32>
      %shift_left3A = arith.constant 11 : i32
      %shift_left3A_223 = vector.broadcast %shift_left3A : i32 to vector<16xi32>
      %shift_left3A_224 = arith.shli %get3A_222, %shift_left3A_223 : vector<16xi32>
      %add3A_225 = arith.addi %shift_left3A_224, %get3A_217 : vector<16xi32>
      %swap3A = arith.index_cast %mul3A_212 : i32 to index
      %swap3A_226 = tpu.vector_load %arg10[%swap3A] {strides = array<i32>} : memref<7808xi32, #tpu.memory_space<vmem>>, vector<16xi32>,
      %swap3A_227 = vector.shape_cast %swap3A_226 : vector<16xi32> to vector<16xi32>
      %swap3A_228 = vector.shape_cast %add3A_225 : vector<16xi32> to vector<16xi32>
      tpu.vector_store %arg10[%swap3A], %swap3A_228 {strides = array<i32>} : memref<7808xi32, #tpu.memory_space<vmem>>, vector<16xi32>,
    }
    %scan3A_74 = arith.constant 488 : i32
    %dma_start3A_75 = arith.constant 0 : i32
    %dma_start3A_76 = tpu.memref_slice %arg3[%dma_start3A_75] : memref<2097152xf32, #tpu.memory_space<hbm>> -> memref<2097152xf32, #tpu.memory_space<hbm>>
    tpu.enqueue_indirect_dma source(%dma_start3A_76 : memref<2097152xf32, #tpu.memory_space<hbm>>) target(%arg12 : memref<7808xf32, #tpu.memory_space<vmem>>) offsets(%arg10 : memref<7808xi32, #tpu.memory_space<vmem>>) semaphore(%arg20 : memref<!tpu.dma_semaphore, #tpu.memory_space<semaphore_mem>>)
    %add3A_77 = arith.constant 7808 : i32
    %add3A_78 = arith.addi %mul3A_2, %add3A_77 : i32
    %dma_start3A_79 = arith.constant 0 : i32
    %dma_start3A_80 = tpu.memref_slice %arg2[%dma_start3A_79, %add3A_78] : memref<2x1000000xi32, #tpu.memory_space<hbm>> -> memref<2x7808xi32, #tpu.memory_space<hbm>>
    %dma_start3A_81 = arith.constant 0 : i32
    %dma_start3A_82 = tpu.memref_slice %arg2[%dma_start3A_81, %add3A_78] : memref<2x1000000xi32, #tpu.memory_space<hbm>> -> memref<2x7808xi32, #tpu.memory_space<hbm>>
    tpu.enqueue_dma source(%dma_start3A_82 : memref<2x7808xi32, #tpu.memory_space<hbm>>) target(%arg9 : memref<2x7808xi32, #tpu.memory_space<vmem>>) target_semaphore(%arg19 : memref<!tpu.dma_semaphore, #tpu.memory_space<semaphore_mem>>)
    %dma_wait3A_83 = arith.constant 0 : i32
    %dma_wait3A_84 = tpu.memref_slice %arg2[%dma_wait3A_83, %add3A_78] : memref<2x1000000xi32, #tpu.memory_space<hbm>> -> memref<2x7808xi32, #tpu.memory_space<hbm>>
    %dma_wait3A_85 = arith.constant 0 : i32
    %dma_wait3A_86 = tpu.memref_slice %arg2[%dma_wait3A_85, %add3A_78] : memref<2x1000000xi32, #tpu.memory_space<hbm>> -> memref<2x7808xi32, #tpu.memory_space<hbm>>
    tpu.wait_dma2 semaphore(%arg19 : memref<!tpu.dma_semaphore, #tpu.memory_space<semaphore_mem>>) src(%dma_wait3A_86 : memref<2x7808xi32, #tpu.memory_space<hbm>>) dst(%arg9 : memref<2x7808xi32, #tpu.memory_space<vmem>>)
    %scan3A_87 = arith.constant 0 : i32
    %scan3A_88 = arith.constant 0 : i32
    %scan3A_89 = arith.constant 488 : i32
    %scan3A_90 = arith.addi %scan3A_88, %scan3A_89 : i32
    %scan3A_91 = arith.constant 1 : i32
    scf.for %scan3A_210 = %scan3A_88 to %scan3A_90 step %scan3A_91  : i32 {
      %mul3A_211 = arith.constant 16 : i32
      %mul3A_212 = arith.muli %scan3A_210, %mul3A_211 : i32
      %get3A_213 = arith.constant 0 : i32
      %get3A_214 = arith.index_cast %get3A_213 : i32 to index
      %get3A_215 = arith.index_cast %mul3A_212 : i32 to index
      %get3A_216 = tpu.vector_load %arg9[%get3A_214, %get3A_215] {strides = array<i32>} : memref<2x7808xi32, #tpu.memory_space<vmem>>, vector<1x16xi32>,
      %get3A_217 = vector.shape_cast %get3A_216 : vector<1x16xi32> to vector<16xi32>
      %get3A_218 = arith.constant 1 : i32
      %get3A_219 = arith.index_cast %get3A_218 : i32 to index
      %get3A_220 = arith.index_cast %mul3A_212 : i32 to index
      %get3A_221 = tpu.vector_load %arg9[%get3A_219, %get3A_220] {strides = array<i32>} : memref<2x7808xi32, #tpu.memory_space<vmem>>, vector<1x16xi32>,
      %get3A_222 = vector.shape_cast %get3A_221 : vector<1x16xi32> to vector<16xi32>
      %shift_left3A = arith.constant 11 : i32
      %shift_left3A_223 = vector.broadcast %shift_left3A : i32 to vector<16xi32>
      %shift_left3A_224 = arith.shli %get3A_222, %shift_left3A_223 : vector<16xi32>
      %add3A_225 = arith.addi %shift_left3A_224, %get3A_217 : vector<16xi32>
      %swap3A = arith.index_cast %mul3A_212 : i32 to index
      %swap3A_226 = tpu.vector_load %arg11[%swap3A] {strides = array<i32>} : memref<7808xi32, #tpu.memory_space<vmem>>, vector<16xi32>,
      %swap3A_227 = vector.shape_cast %swap3A_226 : vector<16xi32> to vector<16xi32>
      %swap3A_228 = vector.shape_cast %add3A_225 : vector<16xi32> to vector<16xi32>
      tpu.vector_store %arg11[%swap3A], %swap3A_228 {strides = array<i32>} : memref<7808xi32, #tpu.memory_space<vmem>>, vector<16xi32>,
    }
    %scan3A_92 = arith.constant 488 : i32
    %dma_wait3A_93 = arith.constant 0 : i32
    %dma_wait3A_94 = tpu.memref_slice %arg3[%dma_wait3A_93] : memref<2097152xf32, #tpu.memory_space<hbm>> -> memref<2097152xf32, #tpu.memory_space<hbm>>
    tpu.wait_indirect_dma semaphore(%arg20 : memref<!tpu.dma_semaphore, #tpu.memory_space<semaphore_mem>>) src(%dma_wait3A_94 : memref<2097152xf32, #tpu.memory_space<hbm>>) dst(%arg12 : memref<7808xf32, #tpu.memory_space<vmem>>)
    %dma_start3A_95 = arith.constant 0 : i32
    %dma_start3A_96 = tpu.memref_slice %arg3[%dma_start3A_95] : memref<2097152xf32, #tpu.memory_space<hbm>> -> memref<2097152xf32, #tpu.memory_space<hbm>>
    tpu.enqueue_indirect_dma source(%dma_start3A_96 : memref<2097152xf32, #tpu.memory_space<hbm>>) target(%arg13 : memref<7808xf32, #tpu.memory_space<vmem>>) offsets(%arg11 : memref<7808xi32, #tpu.memory_space<vmem>>) semaphore(%arg21 : memref<!tpu.dma_semaphore, #tpu.memory_space<semaphore_mem>>)
    %scan3A_97 = arith.constant 0 : i32
    %scan3A_98 = arith.constant 0 : i32
    %scan3A_99 = arith.constant 488 : i32
    %scan3A_100 = arith.addi %scan3A_98, %scan3A_99 : i32
    %scan3A_101 = arith.constant 1 : i32
    scf.for %scan3A_210 = %scan3A_98 to %scan3A_100 step %scan3A_101  : i32 {
      %mul3A_211 = arith.constant 16 : i32
      %mul3A_212 = arith.muli %scan3A_210, %mul3A_211 : i32
      %get3A_213 = arith.constant 0 : i32
      %get3A_214 = arith.index_cast %get3A_213 : i32 to index
      %get3A_215 = arith.index_cast %mul3A_212 : i32 to index
      %get3A_216 = tpu.vector_load %arg8[%get3A_214, %get3A_215] {strides = array<i32>} : memref<2x7808xi32, #tpu.memory_space<vmem>>, vector<1x16xi32>,
      %get3A_217 = vector.shape_cast %get3A_216 : vector<1x16xi32> to vector<16xi32>
      %convert_element_type3A_218 = arith.sitofp %get3A_217 : vector<16xi32> to vector<16xf32>
      %get3A_219 = arith.constant 1 : i32
      %get3A_220 = arith.index_cast %get3A_219 : i32 to index
      %get3A_221 = arith.index_cast %mul3A_212 : i32 to index
      %get3A_222 = tpu.vector_load %arg8[%get3A_220, %get3A_221] {strides = array<i32>} : memref<2x7808xi32, #tpu.memory_space<vmem>>, vector<1x16xi32>,
      %get3A_223 = vector.shape_cast %get3A_222 : vector<1x16xi32> to vector<16xi32>
      %convert_element_type3A_224 = arith.sitofp %get3A_223 : vector<16xi32> to vector<16xf32>
      %get3A_225 = arith.index_cast %mul3A_212 : i32 to index
      %get3A_226 = tpu.vector_load %arg12[%get3A_225] {strides = array<i32>} : memref<7808xf32, #tpu.memory_space<vmem>>, vector<16xf32>,
      %get3A_227 = vector.shape_cast %get3A_226 : vector<16xf32> to vector<16xf32>
      %mul3A_228 = arith.mulf %convert_element_type3A_218, %get3A_227 : vector<16xf32>
      %mul3A_229 = arith.mulf %convert_element_type3A_224, %get3A_227 : vector<16xf32>
      %mul3A_230 = arith.mulf %get3A_6, %mul3A_228 : vector<16xf32>
      %mul3A_231 = arith.mulf %get3A_11, %mul3A_229 : vector<16xf32>
      %add3A_232 = arith.addf %mul3A_230, %mul3A_231 : vector<16xf32>
      %mul3A_233 = arith.mulf %get3A_16, %get3A_227 : vector<16xf32>
      %add3A_234 = arith.addf %add3A_232, %mul3A_233 : vector<16xf32>
      %add3A_235 = arith.addf %add3A_234, %get3A_21 : vector<16xf32>
      %mul3A_236 = arith.mulf %get3A_26, %mul3A_228 : vector<16xf32>
      %mul3A_237 = arith.mulf %get3A_31, %mul3A_229 : vector<16xf32>
      %add3A_238 = arith.addf %mul3A_236, %mul3A_237 : vector<16xf32>
      %mul3A_239 = arith.mulf %get3A_36, %get3A_227 : vector<16xf32>
      %add3A_240 = arith.addf %add3A_238, %mul3A_239 : vector<16xf32>
      %add3A_241 = arith.addf %add3A_240, %get3A_41 : vector<16xf32>
      %mul3A_242 = arith.mulf %get3A_46, %mul3A_228 : vector<16xf32>
      %mul3A_243 = arith.mulf %get3A_51, %mul3A_229 : vector<16xf32>
      %add3A_244 = arith.addf %mul3A_242, %mul3A_243 : vector<16xf32>
      %mul3A_245 = arith.mulf %get3A_56, %get3A_227 : vector<16xf32>
      %add3A_246 = arith.addf %add3A_244, %mul3A_245 : vector<16xf32>
      %add3A_247 = arith.addf %add3A_246, %get3A_61 : vector<16xf32>
      %div3A = arith.divf %add3A_235, %add3A_247 : vector<16xf32>
      %swap3A = arith.constant 0 : i32
      %swap3A_248 = arith.index_cast %swap3A : i32 to index
      %swap3A_249 = arith.index_cast %mul3A_212 : i32 to index
      %swap3A_250 = tpu.vector_load %arg14[%swap3A_248, %swap3A_249] {strides = array<i32>} : memref<2x7808xf32, #tpu.memory_space<vmem>>, vector<1x16xf32>,
      %swap3A_251 = vector.shape_cast %swap3A_250 : vector<1x16xf32> to vector<16xf32>
      %swap3A_252 = vector.shape_cast %div3A : vector<16xf32> to vector<1x16xf32>
      tpu.vector_store %arg14[%swap3A_248, %swap3A_249], %swap3A_252 {strides = array<i32>} : memref<2x7808xf32, #tpu.memory_space<vmem>>, vector<1x16xf32>,
      %div3A_253 = arith.divf %add3A_241, %add3A_247 : vector<16xf32>
      %swap3A_254 = arith.constant 1 : i32
      %swap3A_255 = arith.index_cast %swap3A_254 : i32 to index
      %swap3A_256 = arith.index_cast %mul3A_212 : i32 to index
      %swap3A_257 = tpu.vector_load %arg14[%swap3A_255, %swap3A_256] {strides = array<i32>} : memref<2x7808xf32, #tpu.memory_space<vmem>>, vector<1x16xf32>,
      %swap3A_258 = vector.shape_cast %swap3A_257 : vector<1x16xf32> to vector<16xf32>
      %swap3A_259 = vector.shape_cast %div3A_253 : vector<16xf32> to vector<1x16xf32>
      tpu.vector_store %arg14[%swap3A_255, %swap3A_256], %swap3A_259 {strides = array<i32>} : memref<2x7808xf32, #tpu.memory_space<vmem>>, vector<1x16xf32>,
    }
    %scan3A_102 = arith.constant 488 : i32
    %add3A_103 = arith.constant 0 : i32
    %add3A_104 = arith.addi %mul3A_2, %add3A_103 : i32
    %dma_start3A_105 = arith.constant 0 : i32
    %dma_start3A_106 = tpu.memref_slice %arg6[%dma_start3A_105, %add3A_104] : memref<2x1000000xf32, #tpu.memory_space<hbm>> -> memref<2x7808xf32, #tpu.memory_space<hbm>>
    %dma_start3A_107 = arith.constant 0 : i32
    %dma_start3A_108 = tpu.memref_slice %arg6[%dma_start3A_107, %add3A_104] : memref<2x1000000xf32, #tpu.memory_space<hbm>> -> memref<2x7808xf32, #tpu.memory_space<hbm>>
    tpu.enqueue_dma source(%arg14 : memref<2x7808xf32, #tpu.memory_space<vmem>>) target(%dma_start3A_108 : memref<2x7808xf32, #tpu.memory_space<hbm>>) target_semaphore(%arg22 : memref<!tpu.dma_semaphore, #tpu.memory_space<semaphore_mem>>)
    %add3A_109 = arith.constant 15616 : i32
    %add3A_110 = arith.addi %mul3A_2, %add3A_109 : i32
    %dma_start3A_111 = arith.constant 0 : i32
    %dma_start3A_112 = tpu.memref_slice %arg2[%dma_start3A_111, %add3A_110] : memref<2x1000000xi32, #tpu.memory_space<hbm>> -> memref<2x7808xi32, #tpu.memory_space<hbm>>
    %dma_start3A_113 = arith.constant 0 : i32
    %dma_start3A_114 = tpu.memref_slice %arg2[%dma_start3A_113, %add3A_110] : memref<2x1000000xi32, #tpu.memory_space<hbm>> -> memref<2x7808xi32, #tpu.memory_space<hbm>>
    tpu.enqueue_dma source(%dma_start3A_114 : memref<2x7808xi32, #tpu.memory_space<hbm>>) target(%arg8 : memref<2x7808xi32, #tpu.memory_space<vmem>>) target_semaphore(%arg18 : memref<!tpu.dma_semaphore, #tpu.memory_space<semaphore_mem>>)
    %dma_wait3A_115 = arith.constant 0 : i32
    %dma_wait3A_116 = tpu.memref_slice %arg2[%dma_wait3A_115, %add3A_110] : memref<2x1000000xi32, #tpu.memory_space<hbm>> -> memref<2x7808xi32, #tpu.memory_space<hbm>>
    %dma_wait3A_117 = arith.constant 0 : i32
    %dma_wait3A_118 = tpu.memref_slice %arg2[%dma_wait3A_117, %add3A_110] : memref<2x1000000xi32, #tpu.memory_space<hbm>> -> memref<2x7808xi32, #tpu.memory_space<hbm>>
    tpu.wait_dma2 semaphore(%arg18 : memref<!tpu.dma_semaphore, #tpu.memory_space<semaphore_mem>>) src(%dma_wait3A_118 : memref<2x7808xi32, #tpu.memory_space<hbm>>) dst(%arg8 : memref<2x7808xi32, #tpu.memory_space<vmem>>)
    %scan3A_119 = arith.constant 0 : i32
    %scan3A_120 = arith.constant 0 : i32
    %scan3A_121 = arith.constant 488 : i32
    %scan3A_122 = arith.addi %scan3A_120, %scan3A_121 : i32
    %scan3A_123 = arith.constant 1 : i32
    scf.for %scan3A_210 = %scan3A_120 to %scan3A_122 step %scan3A_123  : i32 {
      %mul3A_211 = arith.constant 16 : i32
      %mul3A_212 = arith.muli %scan3A_210, %mul3A_211 : i32
      %get3A_213 = arith.constant 0 : i32
      %get3A_214 = arith.index_cast %get3A_213 : i32 to index
      %get3A_215 = arith.index_cast %mul3A_212 : i32 to index
      %get3A_216 = tpu.vector_load %arg8[%get3A_214, %get3A_215] {strides = array<i32>} : memref<2x7808xi32, #tpu.memory_space<vmem>>, vector<1x16xi32>,
      %get3A_217 = vector.shape_cast %get3A_216 : vector<1x16xi32> to vector<16xi32>
      %get3A_218 = arith.constant 1 : i32
      %get3A_219 = arith.index_cast %get3A_218 : i32 to index
      %get3A_220 = arith.index_cast %mul3A_212 : i32 to index
      %get3A_221 = tpu.vector_load %arg8[%get3A_219, %get3A_220] {strides = array<i32>} : memref<2x7808xi32, #tpu.memory_space<vmem>>, vector<1x16xi32>,
      %get3A_222 = vector.shape_cast %get3A_221 : vector<1x16xi32> to vector<16xi32>
      %shift_left3A = arith.constant 11 : i32
      %shift_left3A_223 = vector.broadcast %shift_left3A : i32 to vector<16xi32>
      %shift_left3A_224 = arith.shli %get3A_222, %shift_left3A_223 : vector<16xi32>
      %add3A_225 = arith.addi %shift_left3A_224, %get3A_217 : vector<16xi32>
      %swap3A = arith.index_cast %mul3A_212 : i32 to index
      %swap3A_226 = tpu.vector_load %arg10[%swap3A] {strides = array<i32>} : memref<7808xi32, #tpu.memory_space<vmem>>, vector<16xi32>,
      %swap3A_227 = vector.shape_cast %swap3A_226 : vector<16xi32> to vector<16xi32>
      %swap3A_228 = vector.shape_cast %add3A_225 : vector<16xi32> to vector<16xi32>
      tpu.vector_store %arg10[%swap3A], %swap3A_228 {strides = array<i32>} : memref<7808xi32, #tpu.memory_space<vmem>>, vector<16xi32>,
    }
    %scan3A_124 = arith.constant 488 : i32
    %dma_wait3A_125 = arith.constant 0 : i32
    %dma_wait3A_126 = tpu.memref_slice %arg3[%dma_wait3A_125] : memref<2097152xf32, #tpu.memory_space<hbm>> -> memref<2097152xf32, #tpu.memory_space<hbm>>
    tpu.wait_indirect_dma semaphore(%arg21 : memref<!tpu.dma_semaphore, #tpu.memory_space<semaphore_mem>>) src(%dma_wait3A_126 : memref<2097152xf32, #tpu.memory_space<hbm>>) dst(%arg13 : memref<7808xf32, #tpu.memory_space<vmem>>)
    %dma_start3A_127 = arith.constant 0 : i32
    %dma_start3A_128 = tpu.memref_slice %arg3[%dma_start3A_127] : memref<2097152xf32, #tpu.memory_space<hbm>> -> memref<2097152xf32, #tpu.memory_space<hbm>>
    tpu.enqueue_indirect_dma source(%dma_start3A_128 : memref<2097152xf32, #tpu.memory_space<hbm>>) target(%arg12 : memref<7808xf32, #tpu.memory_space<vmem>>) offsets(%arg10 : memref<7808xi32, #tpu.memory_space<vmem>>) semaphore(%arg20 : memref<!tpu.dma_semaphore, #tpu.memory_space<semaphore_mem>>)
    %scan3A_129 = arith.constant 0 : i32
    %scan3A_130 = arith.constant 0 : i32
    %scan3A_131 = arith.constant 488 : i32
    %scan3A_132 = arith.addi %scan3A_130, %scan3A_131 : i32
    %scan3A_133 = arith.constant 1 : i32
    scf.for %scan3A_210 = %scan3A_130 to %scan3A_132 step %scan3A_133  : i32 {
      %mul3A_211 = arith.constant 16 : i32
      %mul3A_212 = arith.muli %scan3A_210, %mul3A_211 : i32
      %get3A_213 = arith.constant 0 : i32
      %get3A_214 = arith.index_cast %get3A_213 : i32 to index
      %get3A_215 = arith.index_cast %mul3A_212 : i32 to index
      %get3A_216 = tpu.vector_load %arg9[%get3A_214, %get3A_215] {strides = array<i32>} : memref<2x7808xi32, #tpu.memory_space<vmem>>, vector<1x16xi32>,
      %get3A_217 = vector.shape_cast %get3A_216 : vector<1x16xi32> to vector<16xi32>
      %convert_element_type3A_218 = arith.sitofp %get3A_217 : vector<16xi32> to vector<16xf32>
      %get3A_219 = arith.constant 1 : i32
      %get3A_220 = arith.index_cast %get3A_219 : i32 to index
      %get3A_221 = arith.index_cast %mul3A_212 : i32 to index
      %get3A_222 = tpu.vector_load %arg9[%get3A_220, %get3A_221] {strides = array<i32>} : memref<2x7808xi32, #tpu.memory_space<vmem>>, vector<1x16xi32>,
      %get3A_223 = vector.shape_cast %get3A_222 : vector<1x16xi32> to vector<16xi32>
      %convert_element_type3A_224 = arith.sitofp %get3A_223 : vector<16xi32> to vector<16xf32>
      %get3A_225 = arith.index_cast %mul3A_212 : i32 to index
      %get3A_226 = tpu.vector_load %arg13[%get3A_225] {strides = array<i32>} : memref<7808xf32, #tpu.memory_space<vmem>>, vector<16xf32>,
      %get3A_227 = vector.shape_cast %get3A_226 : vector<16xf32> to vector<16xf32>
      %mul3A_228 = arith.mulf %convert_element_type3A_218, %get3A_227 : vector<16xf32>
      %mul3A_229 = arith.mulf %convert_element_type3A_224, %get3A_227 : vector<16xf32>
      %mul3A_230 = arith.mulf %get3A_6, %mul3A_228 : vector<16xf32>
      %mul3A_231 = arith.mulf %get3A_11, %mul3A_229 : vector<16xf32>
      %add3A_232 = arith.addf %mul3A_230, %mul3A_231 : vector<16xf32>
      %mul3A_233 = arith.mulf %get3A_16, %get3A_227 : vector<16xf32>
      %add3A_234 = arith.addf %add3A_232, %mul3A_233 : vector<16xf32>
      %add3A_235 = arith.addf %add3A_234, %get3A_21 : vector<16xf32>
      %mul3A_236 = arith.mulf %get3A_26, %mul3A_228 : vector<16xf32>
      %mul3A_237 = arith.mulf %get3A_31, %mul3A_229 : vector<16xf32>
      %add3A_238 = arith.addf %mul3A_236, %mul3A_237 : vector<16xf32>
      %mul3A_239 = arith.mulf %get3A_36, %get3A_227 : vector<16xf32>
      %add3A_240 = arith.addf %add3A_238, %mul3A_239 : vector<16xf32>
      %add3A_241 = arith.addf %add3A_240, %get3A_41 : vector<16xf32>
      %mul3A_242 = arith.mulf %get3A_46, %mul3A_228 : vector<16xf32>
      %mul3A_243 = arith.mulf %get3A_51, %mul3A_229 : vector<16xf32>
      %add3A_244 = arith.addf %mul3A_242, %mul3A_243 : vector<16xf32>
      %mul3A_245 = arith.mulf %get3A_56, %get3A_227 : vector<16xf32>
      %add3A_246 = arith.addf %add3A_244, %mul3A_245 : vector<16xf32>
      %add3A_247 = arith.addf %add3A_246, %get3A_61 : vector<16xf32>
      %div3A = arith.divf %add3A_235, %add3A_247 : vector<16xf32>
      %swap3A = arith.constant 0 : i32
      %swap3A_248 = arith.index_cast %swap3A : i32 to index
      %swap3A_249 = arith.index_cast %mul3A_212 : i32 to index
      %swap3A_250 = tpu.vector_load %arg15[%swap3A_248, %swap3A_249] {strides = array<i32>} : memref<2x7808xf32, #tpu.memory_space<vmem>>, vector<1x16xf32>,
      %swap3A_251 = vector.shape_cast %swap3A_250 : vector<1x16xf32> to vector<16xf32>
      %swap3A_252 = vector.shape_cast %div3A : vector<16xf32> to vector<1x16xf32>
      tpu.vector_store %arg15[%swap3A_248, %swap3A_249], %swap3A_252 {strides = array<i32>} : memref<2x7808xf32, #tpu.memory_space<vmem>>, vector<1x16xf32>,
      %div3A_253 = arith.divf %add3A_241, %add3A_247 : vector<16xf32>
      %swap3A_254 = arith.constant 1 : i32
      %swap3A_255 = arith.index_cast %swap3A_254 : i32 to index
      %swap3A_256 = arith.index_cast %mul3A_212 : i32 to index
      %swap3A_257 = tpu.vector_load %arg15[%swap3A_255, %swap3A_256] {strides = array<i32>} : memref<2x7808xf32, #tpu.memory_space<vmem>>, vector<1x16xf32>,
      %swap3A_258 = vector.shape_cast %swap3A_257 : vector<1x16xf32> to vector<16xf32>
      %swap3A_259 = vector.shape_cast %div3A_253 : vector<16xf32> to vector<1x16xf32>
      tpu.vector_store %arg15[%swap3A_255, %swap3A_256], %swap3A_259 {strides = array<i32>} : memref<2x7808xf32, #tpu.memory_space<vmem>>, vector<1x16xf32>,
    }
    %scan3A_134 = arith.constant 488 : i32
    %add3A_135 = arith.constant 7808 : i32
    %add3A_136 = arith.addi %mul3A_2, %add3A_135 : i32
    %dma_start3A_137 = arith.constant 0 : i32
    %dma_start3A_138 = tpu.memref_slice %arg6[%dma_start3A_137, %add3A_136] : memref<2x1000000xf32, #tpu.memory_space<hbm>> -> memref<2x7808xf32, #tpu.memory_space<hbm>>
    %dma_start3A_139 = arith.constant 0 : i32
    %dma_start3A_140 = tpu.memref_slice %arg6[%dma_start3A_139, %add3A_136] : memref<2x1000000xf32, #tpu.memory_space<hbm>> -> memref<2x7808xf32, #tpu.memory_space<hbm>>
    tpu.enqueue_dma source(%arg15 : memref<2x7808xf32, #tpu.memory_space<vmem>>) target(%dma_start3A_140 : memref<2x7808xf32, #tpu.memory_space<hbm>>) target_semaphore(%arg23 : memref<!tpu.dma_semaphore, #tpu.memory_space<semaphore_mem>>)
    %add3A_141 = arith.constant 23424 : i32
    %add3A_142 = arith.addi %mul3A_2, %add3A_141 : i32
    %dma_start3A_143 = arith.constant 0 : i32
    %dma_start3A_144 = tpu.memref_slice %arg2[%dma_start3A_143, %add3A_142] : memref<2x1000000xi32, #tpu.memory_space<hbm>> -> memref<2x7808xi32, #tpu.memory_space<hbm>>
    %dma_start3A_145 = arith.constant 0 : i32
    %dma_start3A_146 = tpu.memref_slice %arg2[%dma_start3A_145, %add3A_142] : memref<2x1000000xi32, #tpu.memory_space<hbm>> -> memref<2x7808xi32, #tpu.memory_space<hbm>>
    tpu.enqueue_dma source(%dma_start3A_146 : memref<2x7808xi32, #tpu.memory_space<hbm>>) target(%arg9 : memref<2x7808xi32, #tpu.memory_space<vmem>>) target_semaphore(%arg19 : memref<!tpu.dma_semaphore, #tpu.memory_space<semaphore_mem>>)
    %dma_wait3A_147 = arith.constant 0 : i32
    %dma_wait3A_148 = tpu.memref_slice %arg2[%dma_wait3A_147, %add3A_142] : memref<2x1000000xi32, #tpu.memory_space<hbm>> -> memref<2x7808xi32, #tpu.memory_space<hbm>>
    %dma_wait3A_149 = arith.constant 0 : i32
    %dma_wait3A_150 = tpu.memref_slice %arg2[%dma_wait3A_149, %add3A_142] : memref<2x1000000xi32, #tpu.memory_space<hbm>> -> memref<2x7808xi32, #tpu.memory_space<hbm>>
    tpu.wait_dma2 semaphore(%arg19 : memref<!tpu.dma_semaphore, #tpu.memory_space<semaphore_mem>>) src(%dma_wait3A_150 : memref<2x7808xi32, #tpu.memory_space<hbm>>) dst(%arg9 : memref<2x7808xi32, #tpu.memory_space<vmem>>)
    %scan3A_151 = arith.constant 0 : i32
    %scan3A_152 = arith.constant 0 : i32
    %scan3A_153 = arith.constant 488 : i32
    %scan3A_154 = arith.addi %scan3A_152, %scan3A_153 : i32
    %scan3A_155 = arith.constant 1 : i32
    scf.for %scan3A_210 = %scan3A_152 to %scan3A_154 step %scan3A_155  : i32 {
      %mul3A_211 = arith.constant 16 : i32
      %mul3A_212 = arith.muli %scan3A_210, %mul3A_211 : i32
      %get3A_213 = arith.constant 0 : i32
      %get3A_214 = arith.index_cast %get3A_213 : i32 to index
      %get3A_215 = arith.index_cast %mul3A_212 : i32 to index
      %get3A_216 = tpu.vector_load %arg9[%get3A_214, %get3A_215] {strides = array<i32>} : memref<2x7808xi32, #tpu.memory_space<vmem>>, vector<1x16xi32>,
      %get3A_217 = vector.shape_cast %get3A_216 : vector<1x16xi32> to vector<16xi32>
      %get3A_218 = arith.constant 1 : i32
      %get3A_219 = arith.index_cast %get3A_218 : i32 to index
      %get3A_220 = arith.index_cast %mul3A_212 : i32 to index
      %get3A_221 = tpu.vector_load %arg9[%get3A_219, %get3A_220] {strides = array<i32>} : memref<2x7808xi32, #tpu.memory_space<vmem>>, vector<1x16xi32>,
      %get3A_222 = vector.shape_cast %get3A_221 : vector<1x16xi32> to vector<16xi32>
      %shift_left3A = arith.constant 11 : i32
      %shift_left3A_223 = vector.broadcast %shift_left3A : i32 to vector<16xi32>
      %shift_left3A_224 = arith.shli %get3A_222, %shift_left3A_223 : vector<16xi32>
      %add3A_225 = arith.addi %shift_left3A_224, %get3A_217 : vector<16xi32>
      %swap3A = arith.index_cast %mul3A_212 : i32 to index
      %swap3A_226 = tpu.vector_load %arg11[%swap3A] {strides = array<i32>} : memref<7808xi32, #tpu.memory_space<vmem>>, vector<16xi32>,
      %swap3A_227 = vector.shape_cast %swap3A_226 : vector<16xi32> to vector<16xi32>
      %swap3A_228 = vector.shape_cast %add3A_225 : vector<16xi32> to vector<16xi32>
      tpu.vector_store %arg11[%swap3A], %swap3A_228 {strides = array<i32>} : memref<7808xi32, #tpu.memory_space<vmem>>, vector<16xi32>,
    }
    %scan3A_156 = arith.constant 488 : i32
    %dma_wait3A_157 = arith.constant 0 : i32
    %dma_wait3A_158 = tpu.memref_slice %arg3[%dma_wait3A_157] : memref<2097152xf32, #tpu.memory_space<hbm>> -> memref<2097152xf32, #tpu.memory_space<hbm>>
    tpu.wait_indirect_dma semaphore(%arg20 : memref<!tpu.dma_semaphore, #tpu.memory_space<semaphore_mem>>) src(%dma_wait3A_158 : memref<2097152xf32, #tpu.memory_space<hbm>>) dst(%arg12 : memref<7808xf32, #tpu.memory_space<vmem>>)
    %dma_start3A_159 = arith.constant 0 : i32
    %dma_start3A_160 = tpu.memref_slice %arg3[%dma_start3A_159] : memref<2097152xf32, #tpu.memory_space<hbm>> -> memref<2097152xf32, #tpu.memory_space<hbm>>
    tpu.enqueue_indirect_dma source(%dma_start3A_160 : memref<2097152xf32, #tpu.memory_space<hbm>>) target(%arg13 : memref<7808xf32, #tpu.memory_space<vmem>>) offsets(%arg11 : memref<7808xi32, #tpu.memory_space<vmem>>) semaphore(%arg21 : memref<!tpu.dma_semaphore, #tpu.memory_space<semaphore_mem>>)
    %dma_wait3A_161 = arith.constant 0 : i32
    %dma_wait3A_162 = tpu.memref_slice %arg6[%dma_wait3A_161, %add3A_104] : memref<2x1000000xf32, #tpu.memory_space<hbm>> -> memref<2x7808xf32, #tpu.memory_space<hbm>>
    %dma_wait3A_163 = arith.constant 0 : i32
    %dma_wait3A_164 = tpu.memref_slice %arg6[%dma_wait3A_163, %add3A_104] : memref<2x1000000xf32, #tpu.memory_space<hbm>> -> memref<2x7808xf32, #tpu.memory_space<hbm>>
    tpu.wait_dma2 semaphore(%arg22 : memref<!tpu.dma_semaphore, #tpu.memory_space<semaphore_mem>>) src(%arg14 : memref<2x7808xf32, #tpu.memory_space<vmem>>) dst(%dma_wait3A_164 : memref<2x7808xf32, #tpu.memory_space<hbm>>)
    %scan3A_165 = arith.constant 0 : i32
    %scan3A_166 = arith.constant 0 : i32
    %scan3A_167 = arith.constant 488 : i32
    %scan3A_168 = arith.addi %scan3A_166, %scan3A_167 : i32
    %scan3A_169 = arith.constant 1 : i32
    scf.for %scan3A_210 = %scan3A_166 to %scan3A_168 step %scan3A_169  : i32 {
      %mul3A_211 = arith.constant 16 : i32
      %mul3A_212 = arith.muli %scan3A_210, %mul3A_211 : i32
      %get3A_213 = arith.constant 0 : i32
      %get3A_214 = arith.index_cast %get3A_213 : i32 to index
      %get3A_215 = arith.index_cast %mul3A_212 : i32 to index
      %get3A_216 = tpu.vector_load %arg8[%get3A_214, %get3A_215] {strides = array<i32>} : memref<2x7808xi32, #tpu.memory_space<vmem>>, vector<1x16xi32>,
      %get3A_217 = vector.shape_cast %get3A_216 : vector<1x16xi32> to vector<16xi32>
      %convert_element_type3A_218 = arith.sitofp %get3A_217 : vector<16xi32> to vector<16xf32>
      %get3A_219 = arith.constant 1 : i32
      %get3A_220 = arith.index_cast %get3A_219 : i32 to index
      %get3A_221 = arith.index_cast %mul3A_212 : i32 to index
      %get3A_222 = tpu.vector_load %arg8[%get3A_220, %get3A_221] {strides = array<i32>} : memref<2x7808xi32, #tpu.memory_space<vmem>>, vector<1x16xi32>,
      %get3A_223 = vector.shape_cast %get3A_222 : vector<1x16xi32> to vector<16xi32>
      %convert_element_type3A_224 = arith.sitofp %get3A_223 : vector<16xi32> to vector<16xf32>
      %get3A_225 = arith.index_cast %mul3A_212 : i32 to index
      %get3A_226 = tpu.vector_load %arg12[%get3A_225] {strides = array<i32>} : memref<7808xf32, #tpu.memory_space<vmem>>, vector<16xf32>,
      %get3A_227 = vector.shape_cast %get3A_226 : vector<16xf32> to vector<16xf32>
      %mul3A_228 = arith.mulf %convert_element_type3A_218, %get3A_227 : vector<16xf32>
      %mul3A_229 = arith.mulf %convert_element_type3A_224, %get3A_227 : vector<16xf32>
      %mul3A_230 = arith.mulf %get3A_6, %mul3A_228 : vector<16xf32>
      %mul3A_231 = arith.mulf %get3A_11, %mul3A_229 : vector<16xf32>
      %add3A_232 = arith.addf %mul3A_230, %mul3A_231 : vector<16xf32>
      %mul3A_233 = arith.mulf %get3A_16, %get3A_227 : vector<16xf32>
      %add3A_234 = arith.addf %add3A_232, %mul3A_233 : vector<16xf32>
      %add3A_235 = arith.addf %add3A_234, %get3A_21 : vector<16xf32>
      %mul3A_236 = arith.mulf %get3A_26, %mul3A_228 : vector<16xf32>
      %mul3A_237 = arith.mulf %get3A_31, %mul3A_229 : vector<16xf32>
      %add3A_238 = arith.addf %mul3A_236, %mul3A_237 : vector<16xf32>
      %mul3A_239 = arith.mulf %get3A_36, %get3A_227 : vector<16xf32>
      %add3A_240 = arith.addf %add3A_238, %mul3A_239 : vector<16xf32>
      %add3A_241 = arith.addf %add3A_240, %get3A_41 : vector<16xf32>
      %mul3A_242 = arith.mulf %get3A_46, %mul3A_228 : vector<16xf32>
      %mul3A_243 = arith.mulf %get3A_51, %mul3A_229 : vector<16xf32>
      %add3A_244 = arith.addf %mul3A_242, %mul3A_243 : vector<16xf32>
      %mul3A_245 = arith.mulf %get3A_56, %get3A_227 : vector<16xf32>
      %add3A_246 = arith.addf %add3A_244, %mul3A_245 : vector<16xf32>
      %add3A_247 = arith.addf %add3A_246, %get3A_61 : vector<16xf32>
      %div3A = arith.divf %add3A_235, %add3A_247 : vector<16xf32>
      %swap3A = arith.constant 0 : i32
      %swap3A_248 = arith.index_cast %swap3A : i32 to index
      %swap3A_249 = arith.index_cast %mul3A_212 : i32 to index
      %swap3A_250 = tpu.vector_load %arg14[%swap3A_248, %swap3A_249] {strides = array<i32>} : memref<2x7808xf32, #tpu.memory_space<vmem>>, vector<1x16xf32>,
      %swap3A_251 = vector.shape_cast %swap3A_250 : vector<1x16xf32> to vector<16xf32>
      %swap3A_252 = vector.shape_cast %div3A : vector<16xf32> to vector<1x16xf32>
      tpu.vector_store %arg14[%swap3A_248, %swap3A_249], %swap3A_252 {strides = array<i32>} : memref<2x7808xf32, #tpu.memory_space<vmem>>, vector<1x16xf32>,
      %div3A_253 = arith.divf %add3A_241, %add3A_247 : vector<16xf32>
      %swap3A_254 = arith.constant 1 : i32
      %swap3A_255 = arith.index_cast %swap3A_254 : i32 to index
      %swap3A_256 = arith.index_cast %mul3A_212 : i32 to index
      %swap3A_257 = tpu.vector_load %arg14[%swap3A_255, %swap3A_256] {strides = array<i32>} : memref<2x7808xf32, #tpu.memory_space<vmem>>, vector<1x16xf32>,
      %swap3A_258 = vector.shape_cast %swap3A_257 : vector<1x16xf32> to vector<16xf32>
      %swap3A_259 = vector.shape_cast %div3A_253 : vector<16xf32> to vector<1x16xf32>
      tpu.vector_store %arg14[%swap3A_255, %swap3A_256], %swap3A_259 {strides = array<i32>} : memref<2x7808xf32, #tpu.memory_space<vmem>>, vector<1x16xf32>,
    }
    %scan3A_170 = arith.constant 488 : i32
    %add3A_171 = arith.constant 15616 : i32
    %add3A_172 = arith.addi %mul3A_2, %add3A_171 : i32
    %dma_start3A_173 = arith.constant 0 : i32
    %dma_start3A_174 = tpu.memref_slice %arg6[%dma_start3A_173, %add3A_172] : memref<2x1000000xf32, #tpu.memory_space<hbm>> -> memref<2x7808xf32, #tpu.memory_space<hbm>>
    %dma_start3A_175 = arith.constant 0 : i32
    %dma_start3A_176 = tpu.memref_slice %arg6[%dma_start3A_175, %add3A_172] : memref<2x1000000xf32, #tpu.memory_space<hbm>> -> memref<2x7808xf32, #tpu.memory_space<hbm>>
    tpu.enqueue_dma source(%arg14 : memref<2x7808xf32, #tpu.memory_space<vmem>>) target(%dma_start3A_176 : memref<2x7808xf32, #tpu.memory_space<hbm>>) target_semaphore(%arg22 : memref<!tpu.dma_semaphore, #tpu.memory_space<semaphore_mem>>)
    %dma_wait3A_177 = arith.constant 0 : i32
    %dma_wait3A_178 = tpu.memref_slice %arg3[%dma_wait3A_177] : memref<2097152xf32, #tpu.memory_space<hbm>> -> memref<2097152xf32, #tpu.memory_space<hbm>>
    tpu.wait_indirect_dma semaphore(%arg21 : memref<!tpu.dma_semaphore, #tpu.memory_space<semaphore_mem>>) src(%dma_wait3A_178 : memref<2097152xf32, #tpu.memory_space<hbm>>) dst(%arg13 : memref<7808xf32, #tpu.memory_space<vmem>>)
    %dma_wait3A_179 = arith.constant 0 : i32
    %dma_wait3A_180 = tpu.memref_slice %arg6[%dma_wait3A_179, %add3A_136] : memref<2x1000000xf32, #tpu.memory_space<hbm>> -> memref<2x7808xf32, #tpu.memory_space<hbm>>
    %dma_wait3A_181 = arith.constant 0 : i32
    %dma_wait3A_182 = tpu.memref_slice %arg6[%dma_wait3A_181, %add3A_136] : memref<2x1000000xf32, #tpu.memory_space<hbm>> -> memref<2x7808xf32, #tpu.memory_space<hbm>>
    tpu.wait_dma2 semaphore(%arg23 : memref<!tpu.dma_semaphore, #tpu.memory_space<semaphore_mem>>) src(%arg15 : memref<2x7808xf32, #tpu.memory_space<vmem>>) dst(%dma_wait3A_182 : memref<2x7808xf32, #tpu.memory_space<hbm>>)
    %scan3A_183 = arith.constant 0 : i32
    %scan3A_184 = arith.constant 0 : i32
    %scan3A_185 = arith.constant 488 : i32
    %scan3A_186 = arith.addi %scan3A_184, %scan3A_185 : i32
    %scan3A_187 = arith.constant 1 : i32
    scf.for %scan3A_210 = %scan3A_184 to %scan3A_186 step %scan3A_187  : i32 {
      %mul3A_211 = arith.constant 16 : i32
      %mul3A_212 = arith.muli %scan3A_210, %mul3A_211 : i32
      %get3A_213 = arith.constant 0 : i32
      %get3A_214 = arith.index_cast %get3A_213 : i32 to index
      %get3A_215 = arith.index_cast %mul3A_212 : i32 to index
      %get3A_216 = tpu.vector_load %arg9[%get3A_214, %get3A_215] {strides = array<i32>} : memref<2x7808xi32, #tpu.memory_space<vmem>>, vector<1x16xi32>,
      %get3A_217 = vector.shape_cast %get3A_216 : vector<1x16xi32> to vector<16xi32>
      %convert_element_type3A_218 = arith.sitofp %get3A_217 : vector<16xi32> to vector<16xf32>
      %get3A_219 = arith.constant 1 : i32
      %get3A_220 = arith.index_cast %get3A_219 : i32 to index
      %get3A_221 = arith.index_cast %mul3A_212 : i32 to index
      %get3A_222 = tpu.vector_load %arg9[%get3A_220, %get3A_221] {strides = array<i32>} : memref<2x7808xi32, #tpu.memory_space<vmem>>, vector<1x16xi32>,
      %get3A_223 = vector.shape_cast %get3A_222 : vector<1x16xi32> to vector<16xi32>
      %convert_element_type3A_224 = arith.sitofp %get3A_223 : vector<16xi32> to vector<16xf32>
      %get3A_225 = arith.index_cast %mul3A_212 : i32 to index
      %get3A_226 = tpu.vector_load %arg13[%get3A_225] {strides = array<i32>} : memref<7808xf32, #tpu.memory_space<vmem>>, vector<16xf32>,
      %get3A_227 = vector.shape_cast %get3A_226 : vector<16xf32> to vector<16xf32>
      %mul3A_228 = arith.mulf %convert_element_type3A_218, %get3A_227 : vector<16xf32>
      %mul3A_229 = arith.mulf %convert_element_type3A_224, %get3A_227 : vector<16xf32>
      %mul3A_230 = arith.mulf %get3A_6, %mul3A_228 : vector<16xf32>
      %mul3A_231 = arith.mulf %get3A_11, %mul3A_229 : vector<16xf32>
      %add3A_232 = arith.addf %mul3A_230, %mul3A_231 : vector<16xf32>
      %mul3A_233 = arith.mulf %get3A_16, %get3A_227 : vector<16xf32>
      %add3A_234 = arith.addf %add3A_232, %mul3A_233 : vector<16xf32>
      %add3A_235 = arith.addf %add3A_234, %get3A_21 : vector<16xf32>
      %mul3A_236 = arith.mulf %get3A_26, %mul3A_228 : vector<16xf32>
      %mul3A_237 = arith.mulf %get3A_31, %mul3A_229 : vector<16xf32>
      %add3A_238 = arith.addf %mul3A_236, %mul3A_237 : vector<16xf32>
      %mul3A_239 = arith.mulf %get3A_36, %get3A_227 : vector<16xf32>
      %add3A_240 = arith.addf %add3A_238, %mul3A_239 : vector<16xf32>
      %add3A_241 = arith.addf %add3A_240, %get3A_41 : vector<16xf32>
      %mul3A_242 = arith.mulf %get3A_46, %mul3A_228 : vector<16xf32>
      %mul3A_243 = arith.mulf %get3A_51, %mul3A_229 : vector<16xf32>
      %add3A_244 = arith.addf %mul3A_242, %mul3A_243 : vector<16xf32>
      %mul3A_245 = arith.mulf %get3A_56, %get3A_227 : vector<16xf32>
      %add3A_246 = arith.addf %add3A_244, %mul3A_245 : vector<16xf32>
      %add3A_247 = arith.addf %add3A_246, %get3A_61 : vector<16xf32>
      %div3A = arith.divf %add3A_235, %add3A_247 : vector<16xf32>
      %swap3A = arith.constant 0 : i32
      %swap3A_248 = arith.index_cast %swap3A : i32 to index
      %swap3A_249 = arith.index_cast %mul3A_212 : i32 to index
      %swap3A_250 = tpu.vector_load %arg15[%swap3A_248, %swap3A_249] {strides = array<i32>} : memref<2x7808xf32, #tpu.memory_space<vmem>>, vector<1x16xf32>,
      %swap3A_251 = vector.shape_cast %swap3A_250 : vector<1x16xf32> to vector<16xf32>
      %swap3A_252 = vector.shape_cast %div3A : vector<16xf32> to vector<1x16xf32>
      tpu.vector_store %arg15[%swap3A_248, %swap3A_249], %swap3A_252 {strides = array<i32>} : memref<2x7808xf32, #tpu.memory_space<vmem>>, vector<1x16xf32>,
      %div3A_253 = arith.divf %add3A_241, %add3A_247 : vector<16xf32>
      %swap3A_254 = arith.constant 1 : i32
      %swap3A_255 = arith.index_cast %swap3A_254 : i32 to index
      %swap3A_256 = arith.index_cast %mul3A_212 : i32 to index
      %swap3A_257 = tpu.vector_load %arg15[%swap3A_255, %swap3A_256] {strides = array<i32>} : memref<2x7808xf32, #tpu.memory_space<vmem>>, vector<1x16xf32>,
      %swap3A_258 = vector.shape_cast %swap3A_257 : vector<1x16xf32> to vector<16xf32>
      %swap3A_259 = vector.shape_cast %div3A_253 : vector<16xf32> to vector<1x16xf32>
      tpu.vector_store %arg15[%swap3A_255, %swap3A_256], %swap3A_259 {strides = array<i32>} : memref<2x7808xf32, #tpu.memory_space<vmem>>, vector<1x16xf32>,
    }
    %scan3A_188 = arith.constant 488 : i32
    %add3A_189 = arith.constant 23424 : i32
    %add3A_190 = arith.addi %mul3A_2, %add3A_189 : i32
    %dma_start3A_191 = arith.constant 0 : i32
    %dma_start3A_192 = tpu.memref_slice %arg6[%dma_start3A_191, %add3A_190] : memref<2x1000000xf32, #tpu.memory_space<hbm>> -> memref<2x7808xf32, #tpu.memory_space<hbm>>
    %dma_start3A_193 = arith.constant 0 : i32
    %dma_start3A_194 = tpu.memref_slice %arg6[%dma_start3A_193, %add3A_190] : memref<2x1000000xf32, #tpu.memory_space<hbm>> -> memref<2x7808xf32, #tpu.memory_space<hbm>>
    tpu.enqueue_dma source(%arg15 : memref<2x7808xf32, #tpu.memory_space<vmem>>) target(%dma_start3A_194 : memref<2x7808xf32, #tpu.memory_space<hbm>>) target_semaphore(%arg23 : memref<!tpu.dma_semaphore, #tpu.memory_space<semaphore_mem>>)
    %dma_wait3A_195 = arith.constant 0 : i32
    %dma_wait3A_196 = tpu.memref_slice %arg6[%dma_wait3A_195, %add3A_172] : memref<2x1000000xf32, #tpu.memory_space<hbm>> -> memref<2x7808xf32, #tpu.memory_space<hbm>>
    %dma_wait3A_197 = arith.constant 0 : i32
    %dma_wait3A_198 = tpu.memref_slice %arg6[%dma_wait3A_197, %add3A_172] : memref<2x1000000xf32, #tpu.memory_space<hbm>> -> memref<2x7808xf32, #tpu.memory_space<hbm>>
    tpu.wait_dma2 semaphore(%arg22 : memref<!tpu.dma_semaphore, #tpu.memory_space<semaphore_mem>>) src(%arg14 : memref<2x7808xf32, #tpu.memory_space<vmem>>) dst(%dma_wait3A_198 : memref<2x7808xf32, #tpu.memory_space<hbm>>)
    %dma_wait3A_199 = arith.constant 0 : i32
    %dma_wait3A_200 = tpu.memref_slice %arg6[%dma_wait3A_199, %add3A_190] : memref<2x1000000xf32, #tpu.memory_space<hbm>> -> memref<2x7808xf32, #tpu.memory_space<hbm>>
    %dma_wait3A_201 = arith.constant 0 : i32
    %dma_wait3A_202 = tpu.memref_slice %arg6[%dma_wait3A_201, %add3A_190] : memref<2x1000000xf32, #tpu.memory_space<hbm>> -> memref<2x7808xf32, #tpu.memory_space<hbm>>
    tpu.wait_dma2 semaphore(%arg23 : memref<!tpu.dma_semaphore, #tpu.memory_space<semaphore_mem>>) src(%arg15 : memref<2x7808xf32, #tpu.memory_space<vmem>>) dst(%dma_wait3A_202 : memref<2x7808xf32, #tpu.memory_space<hbm>>)
    %eq3A = arith.constant 31 : i32
    %eq3A_203 = arith.cmpi eq, %add3A, %eq3A : i32
    %convert_element_type3A = arith.extui %eq3A_203 : i1 to i32
    %cond3A = arith.constant 0 : i32
    %cond3A_204 = arith.cmpi ne, %convert_element_type3A, %cond3A : i32
    scf.if %cond3A_204 {
      "tpu.region"() ({
        %run_scoped3A = tpu.sem_alloc : memref<!tpu.dma_semaphore, #tpu.memory_space<semaphore_mem>>
        %dma_start3A_234 = arith.constant 0 : i32
        %dma_start3A_235 = arith.constant 0 : i32
        %dma_start3A_236 = tpu.memref_slice %arg8[%dma_start3A_234, %dma_start3A_235] : memref<2x7808xi32, #tpu.memory_space<vmem>> -> memref<2x512xi32, #tpu.memory_space<vmem>>
        %dma_start3A_237 = arith.constant 0 : i32
        %dma_start3A_238 = arith.constant 999424 : i32
        %dma_start3A_239 = tpu.memref_slice %arg2[%dma_start3A_237, %dma_start3A_238] : memref<2x1000000xi32, #tpu.memory_space<hbm>> -> memref<2x512xi32, #tpu.memory_space<hbm>>
        %dma_start3A_240 = arith.constant 0 : i32
        %dma_start3A_241 = arith.constant 0 : i32
        %dma_start3A_242 = tpu.memref_slice %arg8[%dma_start3A_240, %dma_start3A_241] : memref<2x7808xi32, #tpu.memory_space<vmem>> -> memref<2x512xi32, #tpu.memory_space<vmem>>
        %dma_start3A_243 = arith.constant 0 : i32
        %dma_start3A_244 = arith.constant 999424 : i32
        %dma_start3A_245 = tpu.memref_slice %arg2[%dma_start3A_243, %dma_start3A_244] : memref<2x1000000xi32, #tpu.memory_space<hbm>> -> memref<2x512xi32, #tpu.memory_space<hbm>>
        tpu.enqueue_dma source(%dma_start3A_245 : memref<2x512xi32, #tpu.memory_space<hbm>>) target(%dma_start3A_242 : memref<2x512xi32, #tpu.memory_space<vmem>>) target_semaphore(%run_scoped3A : memref<!tpu.dma_semaphore, #tpu.memory_space<semaphore_mem>>)
        %dma_wait3A_246 = arith.constant 0 : i32
        %dma_wait3A_247 = arith.constant 0 : i32
        %dma_wait3A_248 = tpu.memref_slice %arg8[%dma_wait3A_246, %dma_wait3A_247] : memref<2x7808xi32, #tpu.memory_space<vmem>> -> memref<2x512xi32, #tpu.memory_space<vmem>>
        %dma_wait3A_249 = arith.constant 0 : i32
        %dma_wait3A_250 = arith.constant 999424 : i32
        %dma_wait3A_251 = tpu.memref_slice %arg2[%dma_wait3A_249, %dma_wait3A_250] : memref<2x1000000xi32, #tpu.memory_space<hbm>> -> memref<2x512xi32, #tpu.memory_space<hbm>>
        %dma_wait3A_252 = arith.constant 0 : i32
        %dma_wait3A_253 = arith.constant 0 : i32
        %dma_wait3A_254 = tpu.memref_slice %arg8[%dma_wait3A_252, %dma_wait3A_253] : memref<2x7808xi32, #tpu.memory_space<vmem>> -> memref<2x512xi32, #tpu.memory_space<vmem>>
        %dma_wait3A_255 = arith.constant 0 : i32
        %dma_wait3A_256 = arith.constant 999424 : i32
        %dma_wait3A_257 = tpu.memref_slice %arg2[%dma_wait3A_255, %dma_wait3A_256] : memref<2x1000000xi32, #tpu.memory_space<hbm>> -> memref<2x512xi32, #tpu.memory_space<hbm>>
        tpu.wait_dma2 semaphore(%run_scoped3A : memref<!tpu.dma_semaphore, #tpu.memory_space<semaphore_mem>>) src(%dma_wait3A_257 : memref<2x512xi32, #tpu.memory_space<hbm>>) dst(%dma_wait3A_254 : memref<2x512xi32, #tpu.memory_space<vmem>>)
        tpu.yield
      }) : () -> ()
      %scan3A_210 = arith.constant 0 : i32
      %scan3A_211 = arith.constant 0 : i32
      %scan3A_212 = arith.constant 32 : i32
      %scan3A_213 = arith.addi %scan3A_211, %scan3A_212 : i32
      %scan3A_214 = arith.constant 1 : i32
      scf.for %scan3A_234 = %scan3A_211 to %scan3A_213 step %scan3A_214  : i32 {
        %mul3A_235 = arith.constant 16 : i32
        %mul3A_236 = arith.muli %scan3A_234, %mul3A_235 : i32
        %get3A_237 = arith.constant 0 : i32
        %get3A_238 = arith.index_cast %get3A_237 : i32 to index
        %get3A_239 = arith.index_cast %mul3A_236 : i32 to index
        %get3A_240 = tpu.vector_load %arg8[%get3A_238, %get3A_239] {strides = array<i32>} : memref<2x7808xi32, #tpu.memory_space<vmem>>, vector<1x16xi32>,
        %get3A_241 = vector.shape_cast %get3A_240 : vector<1x16xi32> to vector<16xi32>
        %get3A_242 = arith.constant 1 : i32
        %get3A_243 = arith.index_cast %get3A_242 : i32 to index
        %get3A_244 = arith.index_cast %mul3A_236 : i32 to index
        %get3A_245 = tpu.vector_load %arg8[%get3A_243, %get3A_244] {strides = array<i32>} : memref<2x7808xi32, #tpu.memory_space<vmem>>, vector<1x16xi32>,
        %get3A_246 = vector.shape_cast %get3A_245 : vector<1x16xi32> to vector<16xi32>
        %shift_left3A = arith.constant 11 : i32
        %shift_left3A_247 = vector.broadcast %shift_left3A : i32 to vector<16xi32>
        %shift_left3A_248 = arith.shli %get3A_246, %shift_left3A_247 : vector<16xi32>
        %add3A_249 = arith.addi %shift_left3A_248, %get3A_241 : vector<16xi32>
        %swap3A = arith.index_cast %mul3A_236 : i32 to index
        %swap3A_250 = tpu.vector_load %arg10[%swap3A] {strides = array<i32>} : memref<7808xi32, #tpu.memory_space<vmem>>, vector<16xi32>,
        %swap3A_251 = vector.shape_cast %swap3A_250 : vector<16xi32> to vector<16xi32>
        %swap3A_252 = vector.shape_cast %add3A_249 : vector<16xi32> to vector<16xi32>
        tpu.vector_store %arg10[%swap3A], %swap3A_252 {strides = array<i32>} : memref<7808xi32, #tpu.memory_space<vmem>>, vector<16xi32>,
      }
      %scan3A_215 = arith.constant 32 : i32
      %dma_start3A_216 = arith.constant 0 : i32
      %dma_start3A_217 = tpu.memref_slice %arg12[%dma_start3A_216] : memref<7808xf32, #tpu.memory_space<vmem>> -> memref<512xf32, #tpu.memory_space<vmem>>
      %dma_start3A_218 = arith.constant 0 : i32
      %dma_start3A_219 = tpu.memref_slice %arg10[%dma_start3A_218] : memref<7808xi32, #tpu.memory_space<vmem>> -> memref<512xi32, #tpu.memory_space<vmem>>
      %dma_start3A_220 = arith.constant 0 : i32
      %dma_start3A_221 = tpu.memref_slice %arg3[%dma_start3A_220] : memref<2097152xf32, #tpu.memory_space<hbm>> -> memref<2097152xf32, #tpu.memory_space<hbm>>
      tpu.enqueue_indirect_dma source(%dma_start3A_221 : memref<2097152xf32, #tpu.memory_space<hbm>>) target(%dma_start3A_217 : memref<512xf32, #tpu.memory_space<vmem>>) offsets(%dma_start3A_219 : memref<512xi32, #tpu.memory_space<vmem>>) semaphore(%arg20 : memref<!tpu.dma_semaphore, #tpu.memory_space<semaphore_mem>>)
      %dma_wait3A_222 = arith.constant 0 : i32
      %dma_wait3A_223 = tpu.memref_slice %arg12[%dma_wait3A_222] : memref<7808xf32, #tpu.memory_space<vmem>> -> memref<512xf32, #tpu.memory_space<vmem>>
      %dma_wait3A_224 = arith.constant 0 : i32
      %dma_wait3A_225 = tpu.memref_slice %arg10[%dma_wait3A_224] : memref<7808xi32, #tpu.memory_space<vmem>> -> memref<512xi32, #tpu.memory_space<vmem>>
      %dma_wait3A_226 = arith.constant 0 : i32
      %dma_wait3A_227 = tpu.memref_slice %arg3[%dma_wait3A_226] : memref<2097152xf32, #tpu.memory_space<hbm>> -> memref<2097152xf32, #tpu.memory_space<hbm>>
      tpu.wait_indirect_dma semaphore(%arg20 : memref<!tpu.dma_semaphore, #tpu.memory_space<semaphore_mem>>) src(%dma_wait3A_227 : memref<2097152xf32, #tpu.memory_space<hbm>>) dst(%dma_wait3A_223 : memref<512xf32, #tpu.memory_space<vmem>>)
      %scan3A_228 = arith.constant 0 : i32
      %scan3A_229 = arith.constant 0 : i32
      %scan3A_230 = arith.constant 32 : i32
      %scan3A_231 = arith.addi %scan3A_229, %scan3A_230 : i32
      %scan3A_232 = arith.constant 1 : i32
      scf.for %scan3A_234 = %scan3A_229 to %scan3A_231 step %scan3A_232  : i32 {
        %mul3A_235 = arith.constant 16 : i32
        %mul3A_236 = arith.muli %scan3A_234, %mul3A_235 : i32
        %get3A_237 = arith.constant 0 : i32
        %get3A_238 = arith.index_cast %get3A_237 : i32 to index
        %get3A_239 = arith.index_cast %mul3A_236 : i32 to index
        %get3A_240 = tpu.vector_load %arg8[%get3A_238, %get3A_239] {strides = array<i32>} : memref<2x7808xi32, #tpu.memory_space<vmem>>, vector<1x16xi32>,
        %get3A_241 = vector.shape_cast %get3A_240 : vector<1x16xi32> to vector<16xi32>
        %convert_element_type3A_242 = arith.sitofp %get3A_241 : vector<16xi32> to vector<16xf32>
        %get3A_243 = arith.constant 1 : i32
        %get3A_244 = arith.index_cast %get3A_243 : i32 to index
        %get3A_245 = arith.index_cast %mul3A_236 : i32 to index
        %get3A_246 = tpu.vector_load %arg8[%get3A_244, %get3A_245] {strides = array<i32>} : memref<2x7808xi32, #tpu.memory_space<vmem>>, vector<1x16xi32>,
        %get3A_247 = vector.shape_cast %get3A_246 : vector<1x16xi32> to vector<16xi32>
        %convert_element_type3A_248 = arith.sitofp %get3A_247 : vector<16xi32> to vector<16xf32>
        %get3A_249 = arith.index_cast %mul3A_236 : i32 to index
        %get3A_250 = tpu.vector_load %arg12[%get3A_249] {strides = array<i32>} : memref<7808xf32, #tpu.memory_space<vmem>>, vector<16xf32>,
        %get3A_251 = vector.shape_cast %get3A_250 : vector<16xf32> to vector<16xf32>
        %mul3A_252 = arith.mulf %convert_element_type3A_242, %get3A_251 : vector<16xf32>
        %mul3A_253 = arith.mulf %convert_element_type3A_248, %get3A_251 : vector<16xf32>
        %mul3A_254 = arith.mulf %get3A_6, %mul3A_252 : vector<16xf32>
        %mul3A_255 = arith.mulf %get3A_11, %mul3A_253 : vector<16xf32>
        %add3A_256 = arith.addf %mul3A_254, %mul3A_255 : vector<16xf32>
        %mul3A_257 = arith.mulf %get3A_16, %get3A_251 : vector<16xf32>
        %add3A_258 = arith.addf %add3A_256, %mul3A_257 : vector<16xf32>
        %add3A_259 = arith.addf %add3A_258, %get3A_21 : vector<16xf32>
        %mul3A_260 = arith.mulf %get3A_26, %mul3A_252 : vector<16xf32>
        %mul3A_261 = arith.mulf %get3A_31, %mul3A_253 : vector<16xf32>
        %add3A_262 = arith.addf %mul3A_260, %mul3A_261 : vector<16xf32>
        %mul3A_263 = arith.mulf %get3A_36, %get3A_251 : vector<16xf32>
        %add3A_264 = arith.addf %add3A_262, %mul3A_263 : vector<16xf32>
        %add3A_265 = arith.addf %add3A_264, %get3A_41 : vector<16xf32>
        %mul3A_266 = arith.mulf %get3A_46, %mul3A_252 : vector<16xf32>
        %mul3A_267 = arith.mulf %get3A_51, %mul3A_253 : vector<16xf32>
        %add3A_268 = arith.addf %mul3A_266, %mul3A_267 : vector<16xf32>
        %mul3A_269 = arith.mulf %get3A_56, %get3A_251 : vector<16xf32>
        %add3A_270 = arith.addf %add3A_268, %mul3A_269 : vector<16xf32>
        %add3A_271 = arith.addf %add3A_270, %get3A_61 : vector<16xf32>
        %div3A = arith.divf %add3A_259, %add3A_271 : vector<16xf32>
        %swap3A = arith.constant 0 : i32
        %swap3A_272 = arith.index_cast %swap3A : i32 to index
        %swap3A_273 = arith.index_cast %mul3A_236 : i32 to index
        %swap3A_274 = tpu.vector_load %arg14[%swap3A_272, %swap3A_273] {strides = array<i32>} : memref<2x7808xf32, #tpu.memory_space<vmem>>, vector<1x16xf32>,
        %swap3A_275 = vector.shape_cast %swap3A_274 : vector<1x16xf32> to vector<16xf32>
        %swap3A_276 = vector.shape_cast %div3A : vector<16xf32> to vector<1x16xf32>
        tpu.vector_store %arg14[%swap3A_272, %swap3A_273], %swap3A_276 {strides = array<i32>} : memref<2x7808xf32, #tpu.memory_space<vmem>>, vector<1x16xf32>,
        %div3A_277 = arith.divf %add3A_265, %add3A_271 : vector<16xf32>
        %swap3A_278 = arith.constant 1 : i32
        %swap3A_279 = arith.index_cast %swap3A_278 : i32 to index
        %swap3A_280 = arith.index_cast %mul3A_236 : i32 to index
        %swap3A_281 = tpu.vector_load %arg14[%swap3A_279, %swap3A_280] {strides = array<i32>} : memref<2x7808xf32, #tpu.memory_space<vmem>>, vector<1x16xf32>,
        %swap3A_282 = vector.shape_cast %swap3A_281 : vector<1x16xf32> to vector<16xf32>
        %swap3A_283 = vector.shape_cast %div3A_277 : vector<16xf32> to vector<1x16xf32>
        tpu.vector_store %arg14[%swap3A_279, %swap3A_280], %swap3A_283 {strides = array<i32>} : memref<2x7808xf32, #tpu.memory_space<vmem>>, vector<1x16xf32>,
      }
      %scan3A_233 = arith.constant 32 : i32
      "tpu.region"() ({
        %run_scoped3A = tpu.sem_alloc : memref<!tpu.dma_semaphore, #tpu.memory_space<semaphore_mem>>
        %dma_start3A_234 = arith.constant 0 : i32
        %dma_start3A_235 = arith.constant 0 : i32
        %dma_start3A_236 = tpu.memref_slice %arg14[%dma_start3A_234, %dma_start3A_235] : memref<2x7808xf32, #tpu.memory_space<vmem>> -> memref<2x512xf32, #tpu.memory_space<vmem>>
        %dma_start3A_237 = arith.constant 0 : i32
        %dma_start3A_238 = arith.constant 999424 : i32
        %dma_start3A_239 = tpu.memref_slice %arg6[%dma_start3A_237, %dma_start3A_238] : memref<2x1000000xf32, #tpu.memory_space<hbm>> -> memref<2x512xf32, #tpu.memory_space<hbm>>
        %dma_start3A_240 = arith.constant 0 : i32
        %dma_start3A_241 = arith.constant 999424 : i32
        %dma_start3A_242 = tpu.memref_slice %arg6[%dma_start3A_240, %dma_start3A_241] : memref<2x1000000xf32, #tpu.memory_space<hbm>> -> memref<2x512xf32, #tpu.memory_space<hbm>>
        %dma_start3A_243 = arith.constant 0 : i32
        %dma_start3A_244 = arith.constant 0 : i32
        %dma_start3A_245 = tpu.memref_slice %arg14[%dma_start3A_243, %dma_start3A_244] : memref<2x7808xf32, #tpu.memory_space<vmem>> -> memref<2x512xf32, #tpu.memory_space<vmem>>
        tpu.enqueue_dma source(%dma_start3A_245 : memref<2x512xf32, #tpu.memory_space<vmem>>) target(%dma_start3A_242 : memref<2x512xf32, #tpu.memory_space<hbm>>) target_semaphore(%run_scoped3A : memref<!tpu.dma_semaphore, #tpu.memory_space<semaphore_mem>>)
        %dma_wait3A_246 = arith.constant 0 : i32
        %dma_wait3A_247 = arith.constant 0 : i32
        %dma_wait3A_248 = tpu.memref_slice %arg14[%dma_wait3A_246, %dma_wait3A_247] : memref<2x7808xf32, #tpu.memory_space<vmem>> -> memref<2x512xf32, #tpu.memory_space<vmem>>
        %dma_wait3A_249 = arith.constant 0 : i32
        %dma_wait3A_250 = arith.constant 999424 : i32
        %dma_wait3A_251 = tpu.memref_slice %arg6[%dma_wait3A_249, %dma_wait3A_250] : memref<2x1000000xf32, #tpu.memory_space<hbm>> -> memref<2x512xf32, #tpu.memory_space<hbm>>
        %dma_wait3A_252 = arith.constant 0 : i32
        %dma_wait3A_253 = arith.constant 999424 : i32
        %dma_wait3A_254 = tpu.memref_slice %arg6[%dma_wait3A_252, %dma_wait3A_253] : memref<2x1000000xf32, #tpu.memory_space<hbm>> -> memref<2x512xf32, #tpu.memory_space<hbm>>
        %dma_wait3A_255 = arith.constant 0 : i32
        %dma_wait3A_256 = arith.constant 0 : i32
        %dma_wait3A_257 = tpu.memref_slice %arg14[%dma_wait3A_255, %dma_wait3A_256] : memref<2x7808xf32, #tpu.memory_space<vmem>> -> memref<2x512xf32, #tpu.memory_space<vmem>>
        tpu.wait_dma2 semaphore(%run_scoped3A : memref<!tpu.dma_semaphore, #tpu.memory_space<semaphore_mem>>) src(%dma_wait3A_257 : memref<2x512xf32, #tpu.memory_space<vmem>>) dst(%dma_wait3A_254 : memref<2x512xf32, #tpu.memory_space<hbm>>)
        tpu.yield
      }) : () -> ()
    } else {
    }
    %eq3A_205 = arith.constant 30 : i32
    %eq3A_206 = arith.cmpi eq, %add3A, %eq3A_205 : i32
    %convert_element_type3A_207 = arith.extui %eq3A_206 : i1 to i32
    %cond3A_208 = arith.constant 0 : i32
    %cond3A_209 = arith.cmpi ne, %convert_element_type3A_207, %cond3A_208 : i32
    scf.if %cond3A_209 {
      "tpu.region"() ({
        %run_scoped3A = tpu.sem_alloc : memref<!tpu.dma_semaphore, #tpu.memory_space<semaphore_mem>>
        %dma_start3A_234 = arith.constant 0 : i32
        %dma_start3A_235 = tpu.memref_slice %arg10[%dma_start3A_234] : memref<7808xi32, #tpu.memory_space<vmem>> -> memref<128xi32, #tpu.memory_space<vmem>>
        %dma_start3A_236 = arith.constant 0 : i32
        %dma_start3A_237 = tpu.memref_slice %arg10[%dma_start3A_236] : memref<7808xi32, #tpu.memory_space<vmem>> -> memref<128xi32, #tpu.memory_space<vmem>>
        tpu.enqueue_dma source(%arg5 : memref<128xi32, #tpu.memory_space<hbm>>) target(%dma_start3A_237 : memref<128xi32, #tpu.memory_space<vmem>>) target_semaphore(%run_scoped3A : memref<!tpu.dma_semaphore, #tpu.memory_space<semaphore_mem>>)
        %dma_wait3A_238 = arith.constant 0 : i32
        %dma_wait3A_239 = tpu.memref_slice %arg10[%dma_wait3A_238] : memref<7808xi32, #tpu.memory_space<vmem>> -> memref<128xi32, #tpu.memory_space<vmem>>
        %dma_wait3A_240 = arith.constant 0 : i32
        %dma_wait3A_241 = tpu.memref_slice %arg10[%dma_wait3A_240] : memref<7808xi32, #tpu.memory_space<vmem>> -> memref<128xi32, #tpu.memory_space<vmem>>
        tpu.wait_dma2 semaphore(%run_scoped3A : memref<!tpu.dma_semaphore, #tpu.memory_space<semaphore_mem>>) src(%arg5 : memref<128xi32, #tpu.memory_space<hbm>>) dst(%dma_wait3A_241 : memref<128xi32, #tpu.memory_space<vmem>>)
        tpu.yield
      }) : () -> ()
      %scan3A_210 = arith.constant 0 : i32
      %scan3A_211 = arith.constant 0 : i32
      %scan3A_212 = arith.constant 4 : i32
      %scan3A_213 = arith.addi %scan3A_211, %scan3A_212 : i32
      %scan3A_214 = arith.constant 1 : i32
      scf.for %scan3A_234 = %scan3A_211 to %scan3A_213 step %scan3A_214  : i32 {
        %mul3A_235 = arith.constant 16 : i32
        %mul3A_236 = arith.muli %scan3A_234, %mul3A_235 : i32
        %get3A_237 = arith.index_cast %mul3A_236 : i32 to index
        %get3A_238 = tpu.vector_load %arg10[%get3A_237] {strides = array<i32>} : memref<7808xi32, #tpu.memory_space<vmem>>, vector<16xi32>,
        %get3A_239 = vector.shape_cast %get3A_238 : vector<16xi32> to vector<16xi32>
        %add3A_240 = arith.constant 64 : i32
        %add3A_241 = arith.addi %add3A_240, %mul3A_236 : i32
        %get3A_242 = arith.index_cast %add3A_241 : i32 to index
        %get3A_243 = tpu.vector_load %arg10[%get3A_242] {strides = array<i32>} : memref<7808xi32, #tpu.memory_space<vmem>>, vector<16xi32>,
        %get3A_244 = vector.shape_cast %get3A_243 : vector<16xi32> to vector<16xi32>
        %shift_left3A = arith.constant 11 : i32
        %shift_left3A_245 = vector.broadcast %shift_left3A : i32 to vector<16xi32>
        %shift_left3A_246 = arith.shli %get3A_244, %shift_left3A_245 : vector<16xi32>
        %add3A_247 = arith.addi %shift_left3A_246, %get3A_239 : vector<16xi32>
        %add3A_248 = arith.constant 128 : i32
        %add3A_249 = arith.addi %add3A_248, %mul3A_236 : i32
        %swap3A = arith.index_cast %add3A_249 : i32 to index
        %swap3A_250 = tpu.vector_load %arg10[%swap3A] {strides = array<i32>} : memref<7808xi32, #tpu.memory_space<vmem>>, vector<16xi32>,
        %swap3A_251 = vector.shape_cast %swap3A_250 : vector<16xi32> to vector<16xi32>
        %swap3A_252 = vector.shape_cast %add3A_247 : vector<16xi32> to vector<16xi32>
        tpu.vector_store %arg10[%swap3A], %swap3A_252 {strides = array<i32>} : memref<7808xi32, #tpu.memory_space<vmem>>, vector<16xi32>,
      }
      %scan3A_215 = arith.constant 4 : i32
      %dma_start3A_216 = arith.constant 0 : i32
      %dma_start3A_217 = tpu.memref_slice %arg12[%dma_start3A_216] : memref<7808xf32, #tpu.memory_space<vmem>> -> memref<64xf32, #tpu.memory_space<vmem>>
      %dma_start3A_218 = arith.constant 128 : i32
      %dma_start3A_219 = tpu.memref_slice %arg10[%dma_start3A_218] : memref<7808xi32, #tpu.memory_space<vmem>> -> memref<64xi32, #tpu.memory_space<vmem>>
      %dma_start3A_220 = arith.constant 0 : i32
      %dma_start3A_221 = tpu.memref_slice %arg3[%dma_start3A_220] : memref<2097152xf32, #tpu.memory_space<hbm>> -> memref<2097152xf32, #tpu.memory_space<hbm>>
      tpu.enqueue_indirect_dma source(%dma_start3A_221 : memref<2097152xf32, #tpu.memory_space<hbm>>) target(%dma_start3A_217 : memref<64xf32, #tpu.memory_space<vmem>>) offsets(%dma_start3A_219 : memref<64xi32, #tpu.memory_space<vmem>>) semaphore(%arg20 : memref<!tpu.dma_semaphore, #tpu.memory_space<semaphore_mem>>)
      %dma_wait3A_222 = arith.constant 0 : i32
      %dma_wait3A_223 = tpu.memref_slice %arg12[%dma_wait3A_222] : memref<7808xf32, #tpu.memory_space<vmem>> -> memref<64xf32, #tpu.memory_space<vmem>>
      %dma_wait3A_224 = arith.constant 128 : i32
      %dma_wait3A_225 = tpu.memref_slice %arg10[%dma_wait3A_224] : memref<7808xi32, #tpu.memory_space<vmem>> -> memref<64xi32, #tpu.memory_space<vmem>>
      %dma_wait3A_226 = arith.constant 0 : i32
      %dma_wait3A_227 = tpu.memref_slice %arg3[%dma_wait3A_226] : memref<2097152xf32, #tpu.memory_space<hbm>> -> memref<2097152xf32, #tpu.memory_space<hbm>>
      tpu.wait_indirect_dma semaphore(%arg20 : memref<!tpu.dma_semaphore, #tpu.memory_space<semaphore_mem>>) src(%dma_wait3A_227 : memref<2097152xf32, #tpu.memory_space<hbm>>) dst(%dma_wait3A_223 : memref<64xf32, #tpu.memory_space<vmem>>)
      %scan3A_228 = arith.constant 0 : i32
      %scan3A_229 = arith.constant 0 : i32
      %scan3A_230 = arith.constant 4 : i32
      %scan3A_231 = arith.addi %scan3A_229, %scan3A_230 : i32
      %scan3A_232 = arith.constant 1 : i32
      scf.for %scan3A_234 = %scan3A_229 to %scan3A_231 step %scan3A_232  : i32 {
        %mul3A_235 = arith.constant 16 : i32
        %mul3A_236 = arith.muli %scan3A_234, %mul3A_235 : i32
        %get3A_237 = arith.index_cast %mul3A_236 : i32 to index
        %get3A_238 = tpu.vector_load %arg10[%get3A_237] {strides = array<i32>} : memref<7808xi32, #tpu.memory_space<vmem>>, vector<16xi32>,
        %get3A_239 = vector.shape_cast %get3A_238 : vector<16xi32> to vector<16xi32>
        %convert_element_type3A_240 = arith.sitofp %get3A_239 : vector<16xi32> to vector<16xf32>
        %add3A_241 = arith.constant 64 : i32
        %add3A_242 = arith.addi %add3A_241, %mul3A_236 : i32
        %get3A_243 = arith.index_cast %add3A_242 : i32 to index
        %get3A_244 = tpu.vector_load %arg10[%get3A_243] {strides = array<i32>} : memref<7808xi32, #tpu.memory_space<vmem>>, vector<16xi32>,
        %get3A_245 = vector.shape_cast %get3A_244 : vector<16xi32> to vector<16xi32>
        %convert_element_type3A_246 = arith.sitofp %get3A_245 : vector<16xi32> to vector<16xf32>
        %get3A_247 = arith.index_cast %mul3A_236 : i32 to index
        %get3A_248 = tpu.vector_load %arg12[%get3A_247] {strides = array<i32>} : memref<7808xf32, #tpu.memory_space<vmem>>, vector<16xf32>,
        %get3A_249 = vector.shape_cast %get3A_248 : vector<16xf32> to vector<16xf32>
        %mul3A_250 = arith.mulf %convert_element_type3A_240, %get3A_249 : vector<16xf32>
        %mul3A_251 = arith.mulf %convert_element_type3A_246, %get3A_249 : vector<16xf32>
        %mul3A_252 = arith.mulf %get3A_6, %mul3A_250 : vector<16xf32>
        %mul3A_253 = arith.mulf %get3A_11, %mul3A_251 : vector<16xf32>
        %add3A_254 = arith.addf %mul3A_252, %mul3A_253 : vector<16xf32>
        %mul3A_255 = arith.mulf %get3A_16, %get3A_249 : vector<16xf32>
        %add3A_256 = arith.addf %add3A_254, %mul3A_255 : vector<16xf32>
        %add3A_257 = arith.addf %add3A_256, %get3A_21 : vector<16xf32>
        %mul3A_258 = arith.mulf %get3A_26, %mul3A_250 : vector<16xf32>
        %mul3A_259 = arith.mulf %get3A_31, %mul3A_251 : vector<16xf32>
        %add3A_260 = arith.addf %mul3A_258, %mul3A_259 : vector<16xf32>
        %mul3A_261 = arith.mulf %get3A_36, %get3A_249 : vector<16xf32>
        %add3A_262 = arith.addf %add3A_260, %mul3A_261 : vector<16xf32>
        %add3A_263 = arith.addf %add3A_262, %get3A_41 : vector<16xf32>
        %mul3A_264 = arith.mulf %get3A_46, %mul3A_250 : vector<16xf32>
        %mul3A_265 = arith.mulf %get3A_51, %mul3A_251 : vector<16xf32>
        %add3A_266 = arith.addf %mul3A_264, %mul3A_265 : vector<16xf32>
        %mul3A_267 = arith.mulf %get3A_56, %get3A_249 : vector<16xf32>
        %add3A_268 = arith.addf %add3A_266, %mul3A_267 : vector<16xf32>
        %add3A_269 = arith.addf %add3A_268, %get3A_61 : vector<16xf32>
        %div3A = arith.divf %add3A_257, %add3A_269 : vector<16xf32>
        %swap3A = arith.index_cast %mul3A_236 : i32 to index
        %swap3A_270 = tpu.vector_load %arg17[%swap3A] {strides = array<i32>} : memref<128xf32, #tpu.memory_space<vmem>>, vector<16xf32>,
        %swap3A_271 = vector.shape_cast %swap3A_270 : vector<16xf32> to vector<16xf32>
        %swap3A_272 = vector.shape_cast %div3A : vector<16xf32> to vector<16xf32>
        tpu.vector_store %arg17[%swap3A], %swap3A_272 {strides = array<i32>} : memref<128xf32, #tpu.memory_space<vmem>>, vector<16xf32>,
        %div3A_273 = arith.divf %add3A_263, %add3A_269 : vector<16xf32>
        %add3A_274 = arith.constant 64 : i32
        %add3A_275 = arith.addi %add3A_274, %mul3A_236 : i32
        %swap3A_276 = arith.index_cast %add3A_275 : i32 to index
        %swap3A_277 = tpu.vector_load %arg17[%swap3A_276] {strides = array<i32>} : memref<128xf32, #tpu.memory_space<vmem>>, vector<16xf32>,
        %swap3A_278 = vector.shape_cast %swap3A_277 : vector<16xf32> to vector<16xf32>
        %swap3A_279 = vector.shape_cast %div3A_273 : vector<16xf32> to vector<16xf32>
        tpu.vector_store %arg17[%swap3A_276], %swap3A_279 {strides = array<i32>} : memref<128xf32, #tpu.memory_space<vmem>>, vector<16xf32>,
      }
      %scan3A_233 = arith.constant 4 : i32
      "tpu.region"() ({
        %run_scoped3A = tpu.sem_alloc : memref<!tpu.dma_semaphore, #tpu.memory_space<semaphore_mem>>
        tpu.enqueue_dma source(%arg17 : memref<128xf32, #tpu.memory_space<vmem>>) target(%arg7 : memref<128xf32, #tpu.memory_space<hbm>>) target_semaphore(%run_scoped3A : memref<!tpu.dma_semaphore, #tpu.memory_space<semaphore_mem>>)
        tpu.wait_dma2 semaphore(%run_scoped3A : memref<!tpu.dma_semaphore, #tpu.memory_space<semaphore_mem>>) src(%arg17 : memref<128xf32, #tpu.memory_space<vmem>>) dst(%arg7 : memref<128xf32, #tpu.memory_space<hbm>>)
        tpu.yield
      }) : () -> ()
    } else {
    }
    return
  }
}

</mosaic_0001>

<sc_bundles>
// kernel: _reproject.3.cloned.1.call-start
scs
__scs_entry_jumppad:
0x0: {  	(pc) =	sbr.rel $0x88, $3  }
0x1: {  	(tag) =	ssettag $0x0;
	lr =	simm.s32 $0x1  }
0x2: {  	[smem:$0x3F9E] =	sst lr;
	_ =	strace $0xD0000000  }
0x3: {  	_ = 	snop  }
0x4: {  	_ = 	snop  }
0x5: {  	_ = 	snop  }
0x6: {  	_ = 	snop  }
0x7: {  	_ = 	snop  }
__scs_overlays_trampoline_lowered:
0x8: {  	[smem:$0x3FAD] =	sst s0  }
0x9: {  	[smem:$0x3FAE] =	sst s1  }
0xa: {  	[smem:$0x3FAF] =	sst s2  }
0xb: {  	[smem:$0x3FB0] =	sst s3  }
0xc: {  	[smem:$0x3FB1] =	sst s4  }
0xd: {  	[smem:$0x3FB2] =	sst s5  }
0xe: {  	[smem:$0x3FB3] =	sst s6  }
0xf: {  	[smem:$0x3FB4] =	sst s7  }
0x10: {  	[smem:$0x3FB5] =	sst s8  }
0x11: {  	[smem:$0x3FB6] =	sst s9;
	s0 =	simm.s32 @!p0 $0x0  }
0x12: {  	s1 =	sld [smem:$0x3F9C];
	s0 =	simm.s32 @p0 $0x1  }
0x13: {  	[smem:$0x3FB7] =	sst s0;
	s0 =	simm.s32 @!p1 $0x0  }
0x14: {  	s2 =	sld [smem:$0x3F9B];
	s0 =	simm.s32 @p1 $0x1  }
0x15: {  	[smem:$0x3FB8] =	sst s0;
	s0 =	simm.s32 @!p2 $0x0  }
0x16: {  	s3 =	sld [smem:$0x3FDB];
	s0 =	simm.s32 @p2 $0x1  }
0x17: {  	s4 =	simm.s32 $0x1BF5;
	[smem:$0x3FBA] =	sst s0  }
0x18: {  	s0 =	sld [smem:$0x3F9D];
	_ =	swait.ge [sflag:s4], $0x0  }
0x19: {  	s7 =	sld [smem:$0x3F9E]  }
0x1a: {  	s8 =	sadd.s32 $0xFFFFE003, lr  }
0x1b: {  	s9 =	sadd.s32 $0xFFFFFEF7, lr;
	s5 =	simm.s32 $0xFFFFFFFF;
	p2 =	slt.u32 s8, $0xFFFFF086  }
0x1c: {  	p1 =	slt.u32 s9, $0xF7A;
	s5 =	simm.s32 @!p2 $0x0  }
0x1d: {  	s5 =	simm.s32 @p1 $0x1;
	p0 =	seq.s32 s7, s2  }
0x1e: {  	s7 =	smul.u32 @!p0 $0xF7A, s2;
	p2 =	seq.s32 @!p0 s5, $0x0  }
0x1f: {  	s9 =	smul.u32 $0xF7A, s1;
	s8 =	simm.s32 @!p0 $0x1BF5;
	p2 =	por !p2, p0  }
0x20: {  	[sflag:s8] =	ssyncset.s32 @!p0 $0xFFFFF086;
	s6 =	sadd.s32 @!p0 s3, s7;
	s7 =	simm.s32 @!p0 $0x108  }
0x21: {  	s3 =	sadd.s32 s3, s9;
	s6 =	sadd.s32 @!p0 $0x88, s6;
	s7 =	simm.s32 @p2 $0x1082  }
0x22: {  	[simem:s7], [sflag:s8] =	dma.local @!p0 [hbm:s6], $0xF7A  }
0x23: {  	s9 =	sor.u32 $0xD0000000, s2;
	s6 =	simm.s32 $0x108;
	_ =	swait.ge @!p0 [sflag:s8], $0x0  }
0x24: {  	s3 =	sadd.s32 $0x88, s3;
	s6 =	simm.s32 @!p1 $0x1082;
	[sflag:s4] =	ssyncset.s32 $0xFFFFF086  }
0x25: {  	[simem:s6], [sflag:s4] =	dma.local [hbm:s3], $0xF7A  }
0x26: {  	[smem:$0x3F9E] =	sst s1;
	(tag) =	ssettag s2;
	_ =	strace s9  }
0x27: {  	s1 =	sld [smem:$0x3FAE]  }
0x28: {  	s2 =	sld [smem:$0x3FAF]  }
0x29: {  	s4 =	sld [smem:$0x3FB1]  }
0x2a: {  	p0 =	seq.s32 s5, $0x0;
	s5 =	sld [smem:$0x3FB2]  }
0x2b: {  	s6 =	sld [smem:$0x3FB3]  }
0x2c: {  	s7 =	sld [smem:$0x3FB4]  }
0x2d: {  	s3 =	simm.s32 $0x108;
	s8 =	sld [smem:$0x3FB5]  }
0x2e: {  	s3 =	simm.s32 @!p0 $0x1082;
	s9 =	sld [smem:$0x3FB6]  }
0x2f: {  	lr =	sadd.s32 s0, s3;
	s0 =	sld [smem:$0x3FAD]  }
0x30: {  	s3 =	sld [smem:$0x3FB0]  }
0x31: {  	[smem:$0x3FB9] =	sst s10  }
0x32: {  	s10 =	sld [smem:$0x3FB7];
	_ =	sdelay $0x3  }
0x33: {  	p0 =	seq.s32 s10, $0x1;
	s10 =	sld [smem:$0x3FB9];
	_ =	sdelay $0x3  }
0x34: {  	[smem:$0x3FB9] =	sst s10  }
0x35: {  	s10 =	sld [smem:$0x3FB8];
	_ =	sdelay $0x3  }
0x36: {  	p1 =	seq.s32 s10, $0x1;
	s10 =	sld [smem:$0x3FB9];
	_ =	sdelay $0x3  }
0x37: {  	[smem:$0x3FB9] =	sst s10  }
0x38: {  	s10 =	sld [smem:$0x3FBA]  }
0x39: {  	_ = 	snop;
	(pc) =	sbr.ind lr, $3  }
0x3a: {  	_ = 	snop  }
0x3b: {  	_ = 	snop  }
0x3c: {  	p2 =	seq.s32 s10, $0x1;
	s10 =	sld [smem:$0x3FB9]  }
0x3d: {  	_ =	shalt  }
0x3e: {  	_ =	shalt  }
0x3f: {  	_ =	shalt  }
0x40: {  	_ =	shalt  }
0x41: {  	_ =	shalt  }
0x42: {  	_ =	shalt  }
0x43: {  	_ =	shalt  }
0x44: {  	_ =	shalt  }
0x45: {  	_ =	shalt  }
0x46: {  	_ =	shalt  }
0x47: {  	_ =	shalt  }
0x48: {  	_ =	shalt  }
0x49: {  	_ =	shalt  }
0x4a: {  	_ =	shalt  }
0x4b: {  	_ =	shalt  }
0x4c: {  	_ =	shalt  }
0x4d: {  	_ =	shalt  }
0x4e: {  	_ =	shalt  }
0x4f: {  	_ =	shalt  }
0x50: {  	_ =	shalt  }
0x51: {  	_ =	shalt  }
0x52: {  	_ =	shalt  }
0x53: {  	_ =	shalt  }
0x54: {  	_ =	shalt  }
0x55: {  	_ =	shalt  }
0x56: {  	_ =	shalt  }
0x57: {  	_ =	shalt  }
0x58: {  	_ =	shalt  }
0x59: {  	_ =	shalt  }
0x5a: {  	_ =	shalt  }
0x5b: {  	_ =	shalt  }
0x5c: {  	_ =	shalt  }
0x5d: {  	_ =	shalt  }
0x5e: {  	_ =	shalt  }
0x5f: {  	_ =	shalt  }
0x60: {  	_ =	shalt  }
0x61: {  	_ =	shalt  }
0x62: {  	_ =	shalt  }
0x63: {  	_ =	shalt  }
0x64: {  	_ =	shalt  }
0x65: {  	_ =	shalt  }
0x66: {  	_ =	shalt  }
0x67: {  	_ =	shalt  }
0x68: {  	_ =	shalt  }
0x69: {  	_ =	shalt  }
0x6a: {  	_ =	shalt  }
0x6b: {  	_ =	shalt  }
0x6c: {  	_ =	shalt  }
0x6d: {  	_ =	shalt  }
0x6e: {  	_ =	shalt  }
0x6f: {  	_ =	shalt  }
0x70: {  	_ =	shalt  }
0x71: {  	_ =	shalt  }
0x72: {  	_ =	shalt  }
0x73: {  	_ =	shalt  }
0x74: {  	_ =	shalt  }
0x75: {  	_ =	shalt  }
0x76: {  	_ =	shalt  }
0x77: {  	_ =	shalt  }
0x78: {  	_ =	shalt  }
0x79: {  	_ =	shalt  }
0x7a: {  	_ =	shalt  }
0x7b: {  	_ =	shalt  }
0x7c: {  	_ =	shalt  }
0x7d: {  	_ =	shalt  }
0x7e: {  	_ =	shalt  }
0x7f: {  	_ =	shalt  }
0x80: {  	_ =	shalt  }
0x81: {  	_ =	shalt  }
0x82: {  	_ =	shalt  }
0x83: {  	_ =	shalt  }
0x84: {  	_ =	shalt  }
0x85: {  	_ =	shalt  }
0x86: {  	_ =	shalt  }
0x87: {  	_ =	shalt  }
.Lfunc_end0:
.L_simem_size_0:
called_computation_lowered:
.L_overlay_start_0:
0x88: {  	s2 =	sld [smem:$0x3FD9]  }
0x89: {  	s3 =	sld [smem:$0x3FFE];
	_ =	sdelay $0x1  }
0x8a: {  	s1 =	srdreg.scid  }
0x8b: {  	s0 =	sand.u32 $0x1, s1  }
0x8c: {  	s17 =	sshll.u32 s0, $0xA;
	s2 =	sadd.s32 s3, s2  }
0x8d: {  	s2 =	sadd.s32 s2, s17  }
0x8e: {  	[smem:$0x3FC5] =	sst s2  }
0x8f: {  	_ = 	snop  }
0x90: {  	s2 =	sld [smem:$0x3FC9]  }
0x91: {  	s18 =	sld [smem:$0x3FC8]  }
0x92: {  	s4 =	sld [smem:$0x3FC7]  }
0x93: {  	s5 =	sld [smem:$0x3FD0];
	(tm) =	ssettm $0x1  }
0x94: {  	s6 =	sld [smem:$0x3FFB];
	_ =	sdelay $0x3  }
0x95: {  	_ =	strace s6  }
0x96: {  	s6 =	sld [smem:$0x3FFC];
	_ =	sdelay $0x3  }
0x97: {  	_ =	strace s6  }
0x98: {  	s6 =	sld [smem:$0x3FFD];
	_ =	sdelay $0x3  }
0x99: {  	_ =	strace s6  }
0x9a: {  	_ =	strace $0x8FFFFFFF  }
0x9b: {  	s19 =	sld [smem:$0x3FDB];
	_ =	sdelay $0x1  }
0x9c: {  	s7 =	simm.s32 $_scs_section_size  }
0x9d: {  	s8 =	simm.s32 $_size__tile_overlayer_lowered;
	s9 =	simm.s32 $_tile_overlayer_lowered  }
0x9e: {  	s22 =	simm.s32 $0x1BFF;
	s21 =	sshll.u32 s9, $0x1;
	s6 =	sadd.s32 s7, s19  }
0x9f: {  	s10 =	simm.s32 $0x0;
	s20 =	sshll.u32 s8, $0x1;
	s8 =	sadd.s32 s21, s6  }
0xa0: {  	[timem:s10], [sflag:s22] =	dma.local [hbm:s8], s20  }
0xa1: {  	_ =	swait.ge [sflag:s22], s20  }
0xa2: {  	s7 =	ssub.s32 $0x0, s20;
	[sflag:s22] =	ssyncset.done $0x0  }
0xa3: {  	[sflag:s22] =	ssyncadd.s32 s7;
	_ =	sdelay $0x1  }
0xa4: {  	s23 =	simm.s32 $0x1B8B  }
0xa5: {  	_ =	swait.ge [sflag:s23], $0x1  }
0xa6: {  	[sflag:s23] =	ssyncset.done $0x0  }
0xa7: {  	s25 =	simm.s32 $0x1B8E;
	s24 =	sld [smem:$0x3FFE];
	[sflag:s23] =	ssyncadd.s32 $0xFFFFFFFF  }
0xa8: {  	s26 =	simm.s32 $execute0_lowered;
	[smem:$0x3FD2] =	sst s25  }
0xa9: {  	s8 =	sshll.u32 s26, $0x1;
	_ =	strace $0x80000046;
	[dreg:$0x1] =	wrdreg $0xFFFFFFFF  }
0xaa: {  	s28 =	simm.s32 $_size_execute0_lowered;
	s6 =	sadd.s32 s6, s8;
	[dreg:$0x0] =	wrdreg $0x0  }
0xab: {  	s8 =	sshll.u32 s28, $0x1;
	[dreg:$0x2] =	wrdreg s6  }
0xac: {  	[dreg:$0x3] =	wrdreg s8  }
0xad: {  	[dreg:$0x4] =	wrdreg $0xC0  }
0xae: {  	_ =	task [dreg:s10], $0x5FFFF  }
0xaf: {  	[dreg:$0x1] =	wrdreg $0xFFFFFFFF  }
0xb0: {  	[dreg:$0x0] =	wrdreg $0x60  }
0xb1: {  	[dreg:$0x2] =	wrdreg s2  }
0xb2: {  	[dreg:$0x3] =	wrdreg s18  }
0xb3: {  	[dreg:$0x4] =	wrdreg s4  }
0xb4: {  	[dreg:$0x5] =	wrdreg s24  }
0xb5: {  	[dreg:$0x6] =	wrdreg s5  }
0xb6: {  	[dreg:$0x7] =	wrdreg $0x9  }
0xb7: {  	_ =	task.clear_ibuf [dreg:s10], $0x8FFFF;
	_ =	strace $0x90000046  }
0xb8: {  	s29 =	simm.s32 $0x9;
	_ =	strace $0x80000048  }
0xb9: {  	_ =	swait.ge [sflag:s29], $0x1  }
0xba: {  	[sflag:s29] =	ssyncadd.s32 $0xFFFFFFFF  }
0xbb: {  	_ =	strace $0x90000048  }
0xbc: {  	_ =	sfence  }
0xbd: {  	s30 =	sld [smem:$0x0];
	_ =	sdelay $0x2  }
0xbe: {  	s31 =	sshll.u32 s1, $0xD;
	s1 =	sshrl.u32 s1, $0x2  }
0xbf: {  	s3 =	sand.u32 $0x4000, s31;
	s1 =	sadd.s32 s1, s30  }
0xc0: {  	s0 =	sor.u32 s3, s0;
	s1 =	sshll.u32 s1, $0x11  }
0xc1: {  	s0 =	sor.u32 s1, s0  }
0xc2: {  	s0 =	sadd.s32 $0x8F2B, s0  }
0xc3: {  	[sflag:s0] =	ssyncadd.remote.s32 $0x1  }
0xc4: {  	_ =	sfence.sel $0xFFFF  }
0xc5: {  	[dreg:$0x0] =	wrdreg $0xFFFFFFFF;
	(pc) =	sbr.abs _section_cstart, $3  }
0xc6: {  	[dreg:$0x1] =	wrdreg $0xFFFFFFFF  }
0xc7: {  	_ =	task.clear_ibuf [dreg:s10], $0x2FFFF;
	_ =	strace $0x9FFFFFFF  }
0xc8: {  	(tm) =	ssettm $0x7FFFFFFF  }
0xc9: {  	_ =	shalt  }
tec
execute0_lowered:
.L_overlay_start_1:
0x0: {  	(tag) =	ssettag $0x1  }
0x1: {  	s0 =	rddreg [dreg:$0x0]  }
0x2: {  	s1 =	rddreg [dreg:$0x1]  }
0x3: {  	s2 =	rddreg [dreg:$0x3];
	s3 =	srdreg.scid  }
0x4: {  	s4 =	stileid.u32;
	s5 =	rddreg [dreg:$0x4]  }
0x5: {  	s19 =	simm.s32 $0x7;
	s20 =	simm.s32 $0x1;
	s21 =	simm.s32 $0x1E80  }
0x6: {  	s28 =	simm.s32 $0x9880;
	s29 =	simm.s32 $0xD580;
	s30 =	simm.s32 $0xF400  }
0x7: {  	s31 =	simm.s32 $0x4;
	s3 =	sand.u32 $0x1, s3;
	s6 =	sshll.u32 s4, $0x1  }
0x8: {  	s4 =	simm.s32 $0x0;
	s8 =	sadd.s32 $0x800, s2;
	s2 =	sadd.s32 $0xA00, s2  }
0x9: {  	s26 =	sadd.s32 $0x3D000, s5;
	s6 =	sor.u32 s3, s6;
	[smem:$0x7FF] =	sst s4  }
0xa: {  	s3 =	ssub.s32 $0x2, s3;
	_ =	strace $0x80000047;
	[dreg:$0x6] =	wrdreg s8  }
0xb: {  	s7 =	smul.u32 $0xF400, s6;
	s22 =	sshrl.u32 s3, $0x1;
	[dreg:$0x7] =	wrdreg s2  }
0xc: {  	s9 =	smul.u32 $0x1E80, s6;
	[dreg:$0xa] =	wrdreg s26;
	p0 =	seq.s32 s6, $0x1E  }
0xd: {  	p1 =	sne.s32 s6, $0x1F;
	s26 =	simm.s32 $0x3;
	s6 =	simm.s32 $0x0  }
0xe: {  	s23 =	ssub.s32 s3, s22;
	s22 =	simm.s32 $0x7A00;
	s3 =	simm.s32 $0x13100  }
0xf: {  	s11 =	sshrl.u32 s7, $0x3;
	s25 =	sadd.s32 s0, s9;
	s9 =	sadd.s32 s5, s9  }
0x10: {  	s17 =	smax.u32 s23, $0x1;
	s23 =	simm.s32 $0xB700;
	s24 =	sadd.s32 $0x7A0, s11  }
.Ltmp0:
0x11: {  	[dreg:$0x8] =	wrdreg s25;
	s13 =	sadd.s32 $0xF40, s11;
	(pc) =	sbr.rel .LBB2_1-.Ltmp0, $4  }
0x12: {  	s14 =	sadd.s32 $0x16E0, s11;
	s25 =	simm.s32 $0x2;
	s8 =	sadd.s32 s0, s24  }
0x13: {  	s10 =	sadd.s32 s0, s13;
	s11 =	sadd.s32 s5, s24;
	s12 =	sadd.s32 s0, s14  }
0x14: {  	s13 =	sadd.s32 s5, s13;
	s14 =	sadd.s32 s5, s14;
	s0 =	sadd.s32 $0x3D000, s0  }
0x15: {  	s5 =	simm.s32 $0x6;
	[dreg:$0x9] =	wrdreg s0;
	s0 =	simm.s32 $0x5  }
.LBB2_24:
0x16: {  	s2 =	rddreg [dreg:$0x6]  }
0x17: {  	[tilespmem:s22], [sflag:$0x7] =	stream.linear.gather [hbm4b:s2+s4], $0x80, $0x38;
	[tilespmem:$0x17680] =	vst v63  }
0x18: {  	_ =	swait.ge [sflag:s19], $0x80  }
0x19: {  	[sflag:s19] =	ssyncset.done $0x0  }
0x1a: {  	[sflag:s19] =	ssyncadd.s32 $0xFFFFFF80  }
0x1b: {  	v12 =	vld [tilespmem:$0x7A00]  }
0x1c: {  	v13 =	vld [tilespmem:$0x7A40]  }
0x1d: {  	v14 =	vld [tilespmem:$0x7A10]  }
0x1e: {  	v15 =	vld [tilespmem:$0x7A50]  }
0x1f: {  	v16 =	vld [tilespmem:$0x7A20]  }
0x20: {  	v17 =	vld [tilespmem:$0x7A60]  }
0x21: {  	v18 =	vld [tilespmem:$0x7A70]  }
0x22: {  	v19 =	vld [tilespmem:$0x7A30]  }
0x23: {  	v13 =	vshll.u32 v13, $0xB  }
0x24: {  	v40 =	vshll.u32 v15, $0xB;
	v12 =	vadd.s32 v12, v13  }
0x25: {  	v42 =	vshll.u32 v17, $0xB;
	v41 =	vadd.s32 v14, v40;
	[tilespmem:$0x7A80] =	vst v12  }
0x26: {  	v44 =	vshll.u32 v18, $0xB;
	v43 =	vadd.s32 v16, v42;
	[tilespmem:$0x7A90] =	vst v41  }
0x27: {  	v45 =	vadd.s32 v19, v44;
	[tilespmem:$0x7AA0] =	vst v43  }
0x28: {  	s16 =	simm.s32 $0x40;
	s7 =	simm.s32 $0x7A80;
	[tilespmem:$0x7AB0] =	vst v45  }
0x29: {  	[tilespmem:s23], [sflag:$0x3] =	stream.indirect.gather [hbm4b:s1+s16], $0x1, s7, s16, $0xb8;
	[tilespmem:$0x17680] =	vst v63  }
0x2a: {  	_ =	swait.ge [sflag:s26], $0x40  }
0x2b: {  	[sflag:s26] =	ssyncset.done $0x0  }
0x2c: {  	[sflag:s26] =	ssyncadd.s32 $0xFFFFFFC0  }
0x2d: {  	v46 =	vld [tilespmem:$0x7A00]  }
0x2e: {  	v47 =	vld [tilespmem:$0x7A40]  }
0x2f: {  	v48 =	vld [tilespmem:$0xB700]  }
0x30: {  	v49 =	vld [tilespmem:$0x7A10]  }
0x31: {  	v52 =	vld [tilespmem:$0x7A50]  }
0x32: {  	v53 =	vld [tilespmem:$0xB710]  }
0x33: {  	v55 =	vld [tilespmem:$0x7A20]  }
0x34: {  	v23 =	vld [tilespmem:$0x7A60]  }
0x35: {  	v24 =	vld [tilespmem:$0x7A30];
	v12 =	vcvt.s32.f32 v46  }
0x36: {  	v25 =	vld [tilespmem:$0x7A70];
	v13 =	vcvt.s32.f32 v47;
	v54 =	vmul.f32 v48, v9  }
0x37: {  	v57 =	vld [tilespmem:$0xB720];
	v22 =	vmul.f32 v48, v3;
	v15 =	vcvt.s32.f32 v49  }
0x38: {  	v18 =	vcvt.s32.f32 v52;
	v14 =	vmul.f32 v48, v2  }
0x39: {  	v27 =	vld [tilespmem:$0xB730];
	v28 =	vmul.f32 v53, v9;
	v60 =	vcvt.s32.f32 v55  }
0x3a: {  	v61 =	vcvt.s32.f32 v23;
	v62 =	vcvt.s32.f32 v24  }
0x3b: {  	v12 =	vmul.f32 v12, v48;
	v13 =	vmul.f32 v13, v48  }
0x3c: {  	v63 =	vcvt.s32.f32 v25;
	v35 =	vmul.f32 v57, v9  }
0x3d: {  	v50 =	vmul.f32 v12, v11;
	v51 =	vmul.f32 v13, v10  }
0x3e: {  	v37 =	vmul.f32 v27, v9;
	v39 =	vmul.f32 v53, v3  }
0x3f: {  	v41 =	vmul.f32 v53, v2;
	v52 =	vmul.f32 v57, v2;
	v16 =	vadd.f32 v51, v50  }
0x40: {  	v15 =	vmul.f32 v15, v53;
	v18 =	vmul.f32 v18, v53  }
0x41: {  	v20 =	vmul.f32 v12, v6;
	v21 =	vmul.f32 v13, v5;
	v16 =	vadd.f32 v16, v54  }
0x42: {  	v12 =	vmul.f32 v12, v7;
	v13 =	vmul.f32 v13, v4  }
0x43: {  	v17 =	vmul.f32 v61, v57;
	v29 =	vmul.f32 v62, v27;
	v16 =	vadd.f32 v16, v8  }
0x44: {  	v30 =	vmul.f32 v63, v27;
	v26 =	vmul.f32 v15, v11;
	v12 =	vadd.f32 v13, v12  }
0x45: {  	v59 =	vmul.f32 v18, v10;
	(erf) = vrcp.f32 v16  }
0x46: {  	v20 =	vadd.f32 v21, v20;
	v12 =	vadd.f32 v12, v14;
	v14 =	vmul.f32 v60, v57  }
0x47: {  	v56 =	vmul.f32 v15, v6;
	v32 =	vmul.f32 v17, v10  }
0x48: {  	v20 =	vadd.f32 v20, v22;
	v22 =	vadd.f32 v59, v26;
	v31 =	vmul.f32 v14, v11  }
0x49: {  	v33 =	vmul.f32 v29, v11;
	v34 =	vmul.f32 v30, v10  }
0x4a: {  	v58 =	vmul.f32 v18, v5;
	v22 =	vadd.f32 v22, v28;
	v24 =	vadd.f32 v32, v31  }
0x4b: {  	v15 =	vmul.f32 v15, v7;
	v18 =	vmul.f32 v18, v4;
	v10 =	vadd.f32 v34, v33  }
0x4c: {  	v44 =	vmul.f32 v17, v5;
	v22 =	vadd.f32 v22, v8;
	v24 =	vadd.f32 v24, v35  }
0x4d: {  	v47 =	vmul.f32 v17, v4;
	v48 =	vmul.f32 v29, v6  }
0x4e: {  	v9 =	vadd.f32 v10, v37;
	v40 =	vadd.f32 v24, v8;
	v36 =	vpop (erf);
	(erf) = vrcp.f32 v22  }
0x4f: {  	v49 =	vmul.f32 v29, v7;
	v53 =	vmul.f32 v30, v4;
	v13 =	vadd.f32 v58, v56  }
0x50: {  	v38 =	vadd.f32 v18, v15;
	v42 =	vadd.f32 v9, v8;
	(erf) = vrcp.f32 v40  }
0x51: {  	v50 =	vmul.f32 v57, v3;
	v51 =	vmul.f32 v30, v5;
	v4 =	vadd.f32 v53, v49  }
0x52: {  	v10 =	vadd.f32 v13, v39;
	v43 =	vmul.f32 v14, v6;
	(erf) = vrcp.f32 v42  }
0x53: {  	v5 =	vadd.f32 v51, v48;
	v12 =	vadd.f32 v12, v1;
	v46 =	vmul.f32 v14, v7  }
0x54: {  	v54 =	vmul.f32 v27, v3;
	v20 =	vadd.f32 v20, v0;
	v45 =	vadd.f32 v44, v43  }
0x55: {  	v9 =	vadd.f32 v47, v46;
	v11 =	vmul.f32 v36, v12;
	v12 =	vadd.f32 v38, v41  }
0x56: {  	v10 =	vadd.f32 v10, v0;
	v8 =	vadd.f32 v45, v50;
	v20 =	vmul.f32 v36, v20  }
0x57: {  	v56 =	vmul.f32 v27, v2;
	v9 =	vadd.f32 v9, v52;
	v12 =	vadd.f32 v12, v1;
	v55 =	vpop (erf)  }
0x58: {  	v3 =	vadd.f32 v5, v54;
	v8 =	vadd.f32 v8, v0;
	[tilespmem:$0x17600] =	vst v20;
	v57 =	vmul.f32 v55, v10  }
0x59: {  	v2 =	vadd.f32 v4, v56;
	v9 =	vadd.f32 v9, v1;
	[tilespmem:$0x17640] =	vst v11;
	v58 =	vpop (erf);
	v6 =	vmul.f32 v55, v12  }
0x5a: {  	v60 =	vadd.f32 v3, v0;
	v59 =	vmul.f32 v58, v8;
	[tilespmem:$0x17610] =	vst v57  }
0x5b: {  	v62 =	vadd.f32 v2, v1;
	v61 =	vmul.f32 v58, v9;
	v63 =	vpop (erf);
	[tilespmem:$0x17650] =	vst v6  }
0x5c: {  	v0 =	vmul.f32 v63, v60;
	[tilespmem:$0x17620] =	vst v59  }
0x5d: {  	v1 =	vmul.f32 v63, v62;
	[tilespmem:$0x17660] =	vst v61  }
0x5e: {  	[tilespmem:$0x17630] =	vst v0  }
0x5f: {  	s24 =	simm.s32 $0x17600;
	s18 =	rddreg [dreg:$0x7];
	[tilespmem:$0x17670] =	vst v1  }
0x60: {  	[hbm4b:s18+s4] =	stream.linear.scatter [tilespmem:s24], [sflag:$0x7], $0x80, $0x38;
	[tilespmem:$0x17680] =	vst v63  }
0x61: {  	_ =	swait.ge [sflag:s19], $0x80  }
0x62: {  	[sflag:s19] =	ssyncset.done $0x0  }
0x63: {  	[sflag:s19] =	ssyncadd.s32 $0xFFFFFF80  }
.LBB2_25:
0x64: {  	s6 =	sadd.s32 $0x1, s6  }
0x65: {  	p2 =	sne.s32 s6, s17  }
.Ltmp1:
0x66: {  	_ = 	snop;
	(pc) =	sbr.rel @!p2 .LBB2_26-.Ltmp1, $1  }
0x67: {  	_ =	sdelay $0x3  }
.LBB2_1:
0x68: {  	s2 =	rddreg [dreg:$0x2];
	s7 =	simm.s32 $0x16E00  }
0x69: {  	[tilespmem:s7], [sflag:$0x7] =	stream.linear.gather [hbm4b:s2+s4], $0x680, $0x38;
	[tilespmem:$0x17680] =	vst v63  }
0x6a: {  	_ =	swait.ge [sflag:s19], $0x680  }
0x6b: {  	[sflag:s19] =	ssyncset.done $0x0  }
0x6c: {  	[sflag:s19] =	ssyncadd.s32 $0xFFFFF980  }
0x6d: {  	v6 =	vld [tilespmem:$0x16E00]  }
0x6e: {  	v5 =	vld [tilespmem:$0x16E80]  }
0x6f: {  	v3 =	vld [tilespmem:$0x16F00]  }
0x70: {  	v0 =	vld [tilespmem:$0x16F80]  }
0x71: {  	v7 =	vld [tilespmem:$0x17000]  }
0x72: {  	v4 =	vld [tilespmem:$0x17080]  }
0x73: {  	v2 =	vld [tilespmem:$0x17100]  }
0x74: {  	v1 =	vld [tilespmem:$0x17180]  }
0x75: {  	v11 =	vld [tilespmem:$0x17200]  }
0x76: {  	v10 =	vld [tilespmem:$0x17280]  }
0x77: {  	s16 =	rddreg [dreg:$0x8];
	v9 =	vld [tilespmem:$0x17300]  }
0x78: {  	v8 =	vld [tilespmem:$0x17380];
	[tilespmem:s4], [sflag:$0x1] =	stream.linear.gather [hbm4b:s16+s4], $0x3D00, $0x38  }
0x79: {  	_ =	swait.ge [sflag:s20], $0x3D00  }
0x7a: {  	s18 =	sand.u32 $0x70, s4;
	s15 =	sand.u32 $0x3F00, s4;
	[sflag:s20] =	ssyncset.done $0x0  }
0x7b: {  	s2 =	sor.u32 s18, s15;
	[sflag:s20] =	ssyncadd.s32 $0xFFFFC300  }
0x7c: {  	v12 =	vld [tilespmem:s2+$0x80]  }
0x7d: {  	v13 =	vld [tilespmem:s2+$0x0];
	_ =	sdelay $0x2  }
0x7e: {  	s24 =	simm.s32 $0x10  }
0x7f: {  	s15 =	simm.s32 $0x20;
	s18 =	sand.u32 $0x70, s24;
	v12 =	vshll.u32 v12, $0xB  }
0x80: {  	s24 =	sand.u32 $0x3F00, s15;
	s16 =	simm.s32 $0x20;
	s2 =	simm.s32 $0x7A00;
	v12 =	vadd.s32 v13, v12  }
.LBB2_2:
0x81: {  	p2 =	sne.s32 s16, $0x1E70;
	s18 =	sor.u32 s18, s24;
	[tilespmem:s2+$0x0] =	vst v12  }
0x82: {  	v12 =	vld [tilespmem:s18+$0x80]  }
0x83: {  	v13 =	vld [tilespmem:s18+$0x0]  }
.Ltmp2:
0x84: {  	(pc) =	sbr.rel @p2 .LBB2_2-.Ltmp2, $3  }
0x85: {  	_ =	sdelay $0x1  }
0x86: {  	s15 =	sadd.s32 $0x20, s15;
	s2 =	sadd.s32 $0x10, s2;
	v12 =	vshll.u32 v12, $0xB  }
0x87: {  	s24 =	sand.u32 $0x3F00, s15;
	s18 =	sand.u32 $0x70, s16;
	s16 =	sadd.s32 $0x10, s16;
	v12 =	vadd.s32 v13, v12  }
0x88: {  	s15 =	sor.u32 s18, s24;
	[tilespmem:s2+$0x0] =	vst v12  }
0x89: {  	v12 =	vld [tilespmem:s15+$0x80]  }
0x8a: {  	v13 =	vld [tilespmem:s15+$0x0];
	_ =	sdelay $0x3  }
0x8b: {  	v12 =	vshll.u32 v12, $0xB  }
0x8c: {  	s16 =	sadd.s32 $0x10, s2;
	v12 =	vadd.s32 v13, v12  }
0x8d: {  	[tilespmem:s16+$0x0] =	vst v12  }
0x8e: {  	[tilespmem:s23], [sflag:$0x3] =	stream.indirect.gather [hbm4b:s1+s21], $0x1, s22, s21, $0xb8;
	[tilespmem:$0x17680] =	vst v63  }
0x8f: {  	s18 =	simm.s32 $0x0;
	s7 =	simm.s32 $0x3D00  }
0x90: {  	[tilespmem:s7], [sflag:$0x2] =	stream.linear.gather [hbm4b:s8+s18], $0x3D00, $0x38;
	[tilespmem:$0x17680] =	vst v63  }
0x91: {  	_ =	swait.ge [sflag:s25], $0x3D00  }
0x92: {  	s24 =	sand.u32 $0x70, s18;
	s2 =	sand.u32 $0x3F00, s18;
	[sflag:s25] =	ssyncset.done $0x0  }
0x93: {  	s2 =	sor.u32 s24, s2;
	[sflag:s25] =	ssyncadd.s32 $0xFFFFC300  }
0x94: {  	v12 =	vld [tilespmem:s2+$0x3D80]  }
0x95: {  	v13 =	vld [tilespmem:s2+$0x3D00];
	_ =	sdelay $0x2  }
0x96: {  	s15 =	simm.s32 $0x20  }
0x97: {  	s24 =	sand.u32 $0x3F00, s15;
	s16 =	simm.s32 $0x10;
	v12 =	vshll.u32 v12, $0xB  }
0x98: {  	s18 =	sand.u32 $0x70, s16;
	s16 =	simm.s32 $0x20;
	s2 =	simm.s32 $0x9880;
	v12 =	vadd.s32 v13, v12  }
.LBB2_4:
0x99: {  	p2 =	sne.s32 s16, $0x1E70;
	s18 =	sor.u32 s18, s24;
	[tilespmem:s2+$0x0] =	vst v12  }
0x9a: {  	v12 =	vld [tilespmem:s18+$0x3D80]  }
0x9b: {  	v13 =	vld [tilespmem:s18+$0x3D00]  }
.Ltmp3:
0x9c: {  	(pc) =	sbr.rel @p2 .LBB2_4-.Ltmp3, $3  }
0x9d: {  	_ =	sdelay $0x1  }
0x9e: {  	s15 =	sadd.s32 $0x20, s15;
	s2 =	sadd.s32 $0x10, s2;
	v12 =	vshll.u32 v12, $0xB  }
0x9f: {  	s24 =	sand.u32 $0x3F00, s15;
	s18 =	sand.u32 $0x70, s16;
	s16 =	sadd.s32 $0x10, s16;
	v12 =	vadd.s32 v13, v12  }
0xa0: {  	s15 =	sor.u32 s18, s24;
	[tilespmem:s2+$0x0] =	vst v12  }
0xa1: {  	v12 =	vld [tilespmem:s15+$0x3D80]  }
0xa2: {  	v13 =	vld [tilespmem:s15+$0x3D00];
	_ =	sdelay $0x3  }
0xa3: {  	v12 =	vshll.u32 v12, $0xB  }
0xa4: {  	s15 =	sadd.s32 $0x10, s2;
	v12 =	vadd.s32 v13, v12  }
0xa5: {  	[tilespmem:s15+$0x0] =	vst v12  }
0xa6: {  	s16 =	simm.s32 $0x0;
	_ =	swait.ge [sflag:s26], $0x1E80  }
0xa7: {  	s18 =	sand.u32 $0x70, s16;
	s2 =	sand.u32 $0x3F00, s16;
	[sflag:s26] =	ssyncset.done $0x0  }
0xa8: {  	s15 =	sor.u32 s18, s2;
	[sflag:s26] =	ssyncadd.s32 $0xFFFFE180  }
0xa9: {  	[tilespmem:s29], [sflag:$0x4] =	stream.indirect.gather [hbm4b:s1+s21], $0x1, s28, s21, $0xb8;
	[tilespmem:$0x17680] =	vst v63  }
0xaa: {  	v12 =	vld [tilespmem:s15+$0x0]  }
0xab: {  	v13 =	vld [tilespmem:s15+$0x80]  }
0xac: {  	s16 =	simm.s32 $0xB700  }
0xad: {  	v14 =	vld [tilespmem:s16+$0x0];
	_ =	sdelay $0x2  }
0xae: {  	v12 =	vcvt.s32.f32 v12;
	v13 =	vcvt.s32.f32 v13;
	_ =	sdelay $0x1  }
0xaf: {  	v12 =	vmul.f32 v12, v14;
	v13 =	vmul.f32 v13, v14;
	_ =	sdelay $0x1  }
0xb0: {  	v15 =	vmul.f32 v12, v11;
	v16 =	vmul.f32 v13, v10;
	_ =	sdelay $0x1  }
0xb1: {  	v62 =	vmul.f32 v14, v9;
	v15 =	vadd.f32 v16, v15;
	_ =	sdelay $0x1  }
0xb2: {  	v15 =	vadd.f32 v15, v62;
	_ =	sdelay $0x1  }
0xb3: {  	v15 =	vadd.f32 v15, v8;
	_ =	sdelay $0x1  }
0xb4: {  	(erf) = vrcp.f32 v15  }
0xb5: {  	v63 =	vmul.f32 v13, v4;
	v13 =	vmul.f32 v13, v5  }
0xb6: {  	v15 =	vmul.f32 v12, v7;
	v12 =	vmul.f32 v12, v6  }
0xb7: {  	v17 =	vmul.f32 v14, v2  }
0xb8: {  	v15 =	vadd.f32 v63, v15;
	v12 =	vadd.f32 v13, v12;
	v13 =	vmul.f32 v14, v3;
	_ =	sdelay $0x1  }
0xb9: {  	v14 =	vadd.f32 v15, v17;
	v12 =	vadd.f32 v12, v13;
	_ =	sdelay $0x1  }
0xba: {  	s24 =	simm.s32 $0x10;
	s2 =	simm.s32 $0x20;
	v14 =	vadd.f32 v14, v1;
	v12 =	vadd.f32 v12, v0  }
0xbb: {  	s18 =	sand.u32 $0x70, s24;
	s7 =	sand.u32 $0x3F00, s2;
	v15 =	vpop (erf)  }
0xbc: {  	s24 =	sor.u32 s18, s7;
	s18 =	simm.s32 $0x20;
	v13 =	vmul.f32 v15, v12;
	v12 =	vmul.f32 v15, v14  }
.LBB2_6:
0xbd: {  	p2 =	sne.s32 s18, $0x1E70;
	v14 =	vld [tilespmem:s24+$0x0]  }
0xbe: {  	v15 =	vld [tilespmem:s24+$0x80];
	[tilespmem:s15+$0xF400] =	vst v13  }
0xbf: {  	s16 =	sadd.s32 $0x10, s16;
	[tilespmem:s15+$0xF480] =	vst v12;
	s15 =	smov.u32 s24  }
0xc0: {  	v12 =	vld [tilespmem:s16+$0x0];
	_ =	sdelay $0x2  }
0xc1: {  	v13 =	vcvt.s32.f32 v14;
	v14 =	vcvt.s32.f32 v15;
	_ =	sdelay $0x1  }
0xc2: {  	v13 =	vmul.f32 v13, v12;
	v14 =	vmul.f32 v14, v12  }
0xc3: {  	v15 =	vmul.f32 v12, v2  }
0xc4: {  	v16 =	vmul.f32 v13, v11;
	v17 =	vmul.f32 v14, v10  }
0xc5: {  	v18 =	vmul.f32 v13, v7;
	v19 =	vmul.f32 v14, v4  }
0xc6: {  	v16 =	vadd.f32 v17, v16;
	v17 =	vmul.f32 v12, v9  }
0xc7: {  	v18 =	vadd.f32 v19, v18  }
0xc8: {  	v16 =	vadd.f32 v16, v17  }
0xc9: {  	v15 =	vadd.f32 v18, v15  }
0xca: {  	v16 =	vadd.f32 v16, v8  }
0xcb: {  	v15 =	vadd.f32 v15, v1  }
0xcc: {  	(erf) = vrcp.f32 v16;
	_ =	sdelay $0x1  }
0xcd: {  	v13 =	vmul.f32 v13, v6;
	v14 =	vmul.f32 v14, v5;
	_ =	sdelay $0x1  }
0xce: {  	v13 =	vadd.f32 v14, v13;
	v12 =	vmul.f32 v12, v3;
	_ =	sdelay $0x1  }
.Ltmp4:
0xcf: {  	v12 =	vadd.f32 v13, v12;
	(pc) =	sbr.rel @p2 .LBB2_6-.Ltmp4, $4  }
0xd0: {  	_ = 	snop  }
0xd1: {  	s2 =	sadd.s32 $0x20, s2;
	v12 =	vadd.f32 v12, v0  }
0xd2: {  	s7 =	sand.u32 $0x3F00, s2;
	s24 =	sand.u32 $0x70, s18;
	v14 =	vpop (erf)  }
0xd3: {  	s18 =	sadd.s32 $0x10, s18;
	s24 =	sor.u32 s24, s7;
	v13 =	vmul.f32 v14, v12;
	v12 =	vmul.f32 v14, v15  }
0xd4: {  	v14 =	vld [tilespmem:s24+$0x0]  }
0xd5: {  	v15 =	vld [tilespmem:s24+$0x80];
	[tilespmem:s15+$0xF400] =	vst v13  }
0xd6: {  	s2 =	sadd.s32 $0x10, s16;
	[tilespmem:s15+$0xF480] =	vst v12  }
0xd7: {  	v12 =	vld [tilespmem:s2+$0x0];
	_ =	sdelay $0x2  }
0xd8: {  	v13 =	vcvt.s32.f32 v14;
	v14 =	vcvt.s32.f32 v15;
	_ =	sdelay $0x1  }
0xd9: {  	v13 =	vmul.f32 v13, v12;
	v14 =	vmul.f32 v14, v12;
	_ =	sdelay $0x1  }
0xda: {  	v15 =	vmul.f32 v13, v11;
	v16 =	vmul.f32 v14, v10;
	_ =	sdelay $0x1  }
0xdb: {  	v61 =	vmul.f32 v12, v9;
	v15 =	vadd.f32 v16, v15;
	_ =	sdelay $0x1  }
0xdc: {  	v15 =	vadd.f32 v15, v61;
	_ =	sdelay $0x1  }
0xdd: {  	v15 =	vadd.f32 v15, v8;
	_ =	sdelay $0x1  }
0xde: {  	(erf) = vrcp.f32 v15  }
0xdf: {  	v62 =	vmul.f32 v14, v5;
	v15 =	vmul.f32 v13, v6  }
0xe0: {  	v63 =	vmul.f32 v12, v3  }
0xe1: {  	v14 =	vmul.f32 v14, v4;
	v13 =	vmul.f32 v13, v7;
	v15 =	vadd.f32 v62, v15;
	_ =	sdelay $0x1  }
0xe2: {  	v12 =	vmul.f32 v12, v2;
	v13 =	vadd.f32 v14, v13;
	v14 =	vadd.f32 v15, v63;
	_ =	sdelay $0x1  }
0xe3: {  	v12 =	vadd.f32 v13, v12  }
0xe4: {  	v13 =	vadd.f32 v14, v0  }
0xe5: {  	v12 =	vadd.f32 v12, v1;
	v14 =	vpop (erf)  }
0xe6: {  	v13 =	vmul.f32 v14, v13  }
0xe7: {  	v12 =	vmul.f32 v14, v12  }
0xe8: {  	[tilespmem:s24+$0xF400] =	vst v13  }
0xe9: {  	s18 =	simm.s32 $0x0;
	[tilespmem:s24+$0xF480] =	vst v12  }
0xea: {  	[hbm4b:s9+s18] =	stream.linear.scatter [tilespmem:s30], [sflag:$0x5], $0x3D00, $0x38;
	[tilespmem:$0x17680] =	vst v63  }
0xeb: {  	_ = 	snop  }
0xec: {  	[tilespmem:s18], [sflag:$0x1] =	stream.linear.gather [hbm4b:s10+s18], $0x3D00, $0x38;
	[tilespmem:$0x17680] =	vst v63  }
0xed: {  	_ =	swait.ge [sflag:s20], $0x3D00  }
0xee: {  	s7 =	sand.u32 $0x70, s18;
	s2 =	sand.u32 $0x3F00, s18;
	[sflag:s20] =	ssyncset.done $0x0  }
0xef: {  	s2 =	sor.u32 s7, s2;
	[sflag:s20] =	ssyncadd.s32 $0xFFFFC300  }
0xf0: {  	v12 =	vld [tilespmem:s2+$0x80]  }
0xf1: {  	v13 =	vld [tilespmem:s2+$0x0];
	_ =	sdelay $0x3  }
0xf2: {  	s16 =	simm.s32 $0x20;
	s15 =	simm.s32 $0x20;
	s24 =	simm.s32 $0x10;
	v12 =	vshll.u32 v12, $0xB  }
0xf3: {  	s18 =	sand.u32 $0x70, s24;
	s24 =	sand.u32 $0x3F00, s15;
	s2 =	simm.s32 $0x7A00;
	v12 =	vadd.s32 v13, v12  }
.LBB2_8:
0xf4: {  	p2 =	sne.s32 s16, $0x1E70;
	s7 =	sor.u32 s18, s24;
	[tilespmem:s2+$0x0] =	vst v12  }
0xf5: {  	v12 =	vld [tilespmem:s7+$0x80]  }
0xf6: {  	v13 =	vld [tilespmem:s7+$0x0]  }
.Ltmp5:
0xf7: {  	(pc) =	sbr.rel @p2 .LBB2_8-.Ltmp5, $3  }
0xf8: {  	_ =	sdelay $0x1  }
0xf9: {  	s15 =	sadd.s32 $0x20, s15;
	s2 =	sadd.s32 $0x10, s2;
	v12 =	vshll.u32 v12, $0xB  }
0xfa: {  	s18 =	sand.u32 $0x70, s16;
	s16 =	sadd.s32 $0x10, s16;
	s24 =	sand.u32 $0x3F00, s15;
	v12 =	vadd.s32 v13, v12  }
0xfb: {  	s7 =	sor.u32 s18, s24;
	[tilespmem:s2+$0x0] =	vst v12  }
0xfc: {  	v12 =	vld [tilespmem:s7+$0x80]  }
0xfd: {  	v13 =	vld [tilespmem:s7+$0x0];
	_ =	sdelay $0x3  }
0xfe: {  	v12 =	vshll.u32 v12, $0xB  }
0xff: {  	s7 =	sadd.s32 $0x10, s2;
	v12 =	vadd.s32 v13, v12  }
0x100: {  	[tilespmem:s7+$0x0] =	vst v12  }
0x101: {  	s15 =	simm.s32 $0x0;
	_ =	swait.ge [sflag:s31], $0x1E80  }
0x102: {  	s16 =	sand.u32 $0x70, s15;
	s2 =	sand.u32 $0x3F00, s15;
	[sflag:s31] =	ssyncset.done $0x0  }
0x103: {  	s15 =	sor.u32 s16, s2;
	[sflag:s31] =	ssyncadd.s32 $0xFFFFE180  }
0x104: {  	[tilespmem:s23], [sflag:$0x3] =	stream.indirect.gather [hbm4b:s1+s21], $0x1, s22, s21, $0xb8;
	[tilespmem:$0x17680] =	vst v63  }
0x105: {  	v12 =	vld [tilespmem:s15+$0x3D00]  }
0x106: {  	v13 =	vld [tilespmem:s15+$0x3D80]  }
0x107: {  	s16 =	simm.s32 $0xD580  }
0x108: {  	v14 =	vld [tilespmem:s16+$0x0];
	_ =	sdelay $0x2  }
0x109: {  	v12 =	vcvt.s32.f32 v12;
	v13 =	vcvt.s32.f32 v13;
	_ =	sdelay $0x1  }
0x10a: {  	v12 =	vmul.f32 v12, v14;
	v13 =	vmul.f32 v13, v14;
	_ =	sdelay $0x1  }
0x10b: {  	v15 =	vmul.f32 v12, v11;
	v16 =	vmul.f32 v13, v10;
	_ =	sdelay $0x1  }
0x10c: {  	v62 =	vmul.f32 v14, v9;
	v15 =	vadd.f32 v16, v15;
	_ =	sdelay $0x1  }
0x10d: {  	v15 =	vadd.f32 v15, v62;
	_ =	sdelay $0x1  }
0x10e: {  	v15 =	vadd.f32 v15, v8;
	_ =	sdelay $0x1  }
0x10f: {  	(erf) = vrcp.f32 v15  }
0x110: {  	v63 =	vmul.f32 v13, v4;
	v13 =	vmul.f32 v13, v5  }
0x111: {  	v15 =	vmul.f32 v12, v7;
	v12 =	vmul.f32 v12, v6  }
0x112: {  	v17 =	vmul.f32 v14, v2  }
0x113: {  	v15 =	vadd.f32 v63, v15;
	v12 =	vadd.f32 v13, v12;
	v13 =	vmul.f32 v14, v3;
	_ =	sdelay $0x1  }
0x114: {  	v14 =	vadd.f32 v15, v17;
	v12 =	vadd.f32 v12, v13;
	_ =	sdelay $0x1  }
0x115: {  	s18 =	simm.s32 $0x10;
	s2 =	simm.s32 $0x20;
	v14 =	vadd.f32 v14, v1;
	v12 =	vadd.f32 v12, v0  }
0x116: {  	s24 =	sand.u32 $0x3F00, s2;
	s7 =	sand.u32 $0x70, s18;
	v15 =	vpop (erf)  }
0x117: {  	s18 =	simm.s32 $0x20;
	s24 =	sor.u32 s7, s24;
	v13 =	vmul.f32 v15, v12;
	v12 =	vmul.f32 v15, v14  }
.LBB2_10:
0x118: {  	p2 =	sne.s32 s18, $0x1E70;
	v14 =	vld [tilespmem:s24+$0x3D00]  }
0x119: {  	v15 =	vld [tilespmem:s24+$0x3D80];
	[tilespmem:s15+$0x13100] =	vst v13  }
0x11a: {  	s16 =	sadd.s32 $0x10, s16;
	[tilespmem:s15+$0x13180] =	vst v12;
	s15 =	smov.u32 s24  }
0x11b: {  	v12 =	vld [tilespmem:s16+$0x0];
	_ =	sdelay $0x2  }
0x11c: {  	v13 =	vcvt.s32.f32 v14;
	v14 =	vcvt.s32.f32 v15;
	_ =	sdelay $0x1  }
0x11d: {  	v13 =	vmul.f32 v13, v12;
	v14 =	vmul.f32 v14, v12  }
0x11e: {  	v15 =	vmul.f32 v12, v2  }
0x11f: {  	v16 =	vmul.f32 v13, v11;
	v17 =	vmul.f32 v14, v10  }
0x120: {  	v18 =	vmul.f32 v13, v7;
	v19 =	vmul.f32 v14, v4  }
0x121: {  	v16 =	vadd.f32 v17, v16;
	v17 =	vmul.f32 v12, v9  }
0x122: {  	v18 =	vadd.f32 v19, v18  }
0x123: {  	v16 =	vadd.f32 v16, v17  }
0x124: {  	v15 =	vadd.f32 v18, v15  }
0x125: {  	v16 =	vadd.f32 v16, v8  }
0x126: {  	v15 =	vadd.f32 v15, v1  }
0x127: {  	(erf) = vrcp.f32 v16;
	_ =	sdelay $0x1  }
0x128: {  	v13 =	vmul.f32 v13, v6;
	v14 =	vmul.f32 v14, v5;
	_ =	sdelay $0x1  }
0x129: {  	v13 =	vadd.f32 v14, v13;
	v12 =	vmul.f32 v12, v3;
	_ =	sdelay $0x1  }
.Ltmp6:
0x12a: {  	v12 =	vadd.f32 v13, v12;
	(pc) =	sbr.rel @p2 .LBB2_10-.Ltmp6, $4  }
0x12b: {  	_ = 	snop  }
0x12c: {  	s2 =	sadd.s32 $0x20, s2;
	v12 =	vadd.f32 v12, v0  }
0x12d: {  	s7 =	sand.u32 $0x70, s18;
	s24 =	sand.u32 $0x3F00, s2;
	v14 =	vpop (erf)  }
0x12e: {  	s18 =	sadd.s32 $0x10, s18;
	s24 =	sor.u32 s7, s24;
	v13 =	vmul.f32 v14, v12;
	v12 =	vmul.f32 v14, v15  }
0x12f: {  	v14 =	vld [tilespmem:s24+$0x3D00]  }
0x130: {  	v15 =	vld [tilespmem:s24+$0x3D80];
	[tilespmem:s15+$0x13100] =	vst v13  }
0x131: {  	s2 =	sadd.s32 $0x10, s16;
	[tilespmem:s15+$0x13180] =	vst v12  }
0x132: {  	v12 =	vld [tilespmem:s2+$0x0];
	_ =	sdelay $0x2  }
0x133: {  	v13 =	vcvt.s32.f32 v14;
	v14 =	vcvt.s32.f32 v15;
	_ =	sdelay $0x1  }
0x134: {  	v13 =	vmul.f32 v13, v12;
	v14 =	vmul.f32 v14, v12;
	_ =	sdelay $0x1  }
0x135: {  	v15 =	vmul.f32 v13, v11;
	v16 =	vmul.f32 v14, v10;
	_ =	sdelay $0x1  }
0x136: {  	v61 =	vmul.f32 v12, v9;
	v15 =	vadd.f32 v16, v15;
	_ =	sdelay $0x1  }
0x137: {  	v15 =	vadd.f32 v15, v61;
	_ =	sdelay $0x1  }
0x138: {  	v15 =	vadd.f32 v15, v8;
	_ =	sdelay $0x1  }
0x139: {  	(erf) = vrcp.f32 v15  }
0x13a: {  	v62 =	vmul.f32 v14, v5;
	v15 =	vmul.f32 v13, v6  }
0x13b: {  	v63 =	vmul.f32 v12, v3  }
0x13c: {  	v14 =	vmul.f32 v14, v4;
	v13 =	vmul.f32 v13, v7;
	v15 =	vadd.f32 v62, v15;
	_ =	sdelay $0x1  }
0x13d: {  	v12 =	vmul.f32 v12, v2;
	v13 =	vadd.f32 v14, v13;
	v14 =	vadd.f32 v15, v63;
	_ =	sdelay $0x1  }
0x13e: {  	v12 =	vadd.f32 v13, v12  }
0x13f: {  	v13 =	vadd.f32 v14, v0  }
0x140: {  	v12 =	vadd.f32 v12, v1;
	v14 =	vpop (erf)  }
0x141: {  	v13 =	vmul.f32 v14, v13  }
0x142: {  	v12 =	vmul.f32 v14, v12  }
0x143: {  	[tilespmem:s24+$0x13100] =	vst v13  }
0x144: {  	s16 =	simm.s32 $0x0;
	[tilespmem:s24+$0x13180] =	vst v12  }
0x145: {  	[hbm4b:s11+s16] =	stream.linear.scatter [tilespmem:s3], [sflag:$0x6], $0x3D00, $0x38;
	[tilespmem:$0x17680] =	vst v63  }
0x146: {  	s7 =	simm.s32 $0x3D00  }
0x147: {  	[tilespmem:s7], [sflag:$0x2] =	stream.linear.gather [hbm4b:s12+s16], $0x3D00, $0x38;
	[tilespmem:$0x17680] =	vst v63  }
0x148: {  	_ =	swait.ge [sflag:s25], $0x3D00  }
0x149: {  	s18 =	sand.u32 $0x70, s16;
	s2 =	sand.u32 $0x3F00, s16;
	[sflag:s25] =	ssyncset.done $0x0  }
0x14a: {  	s2 =	sor.u32 s18, s2;
	[sflag:s25] =	ssyncadd.s32 $0xFFFFC300  }
0x14b: {  	v12 =	vld [tilespmem:s2+$0x3D80]  }
0x14c: {  	v13 =	vld [tilespmem:s2+$0x3D00];
	_ =	sdelay $0x2  }
0x14d: {  	s24 =	simm.s32 $0x10  }
0x14e: {  	s15 =	simm.s32 $0x20;
	s18 =	sand.u32 $0x70, s24;
	v12 =	vshll.u32 v12, $0xB  }
0x14f: {  	s24 =	sand.u32 $0x3F00, s15;
	s16 =	simm.s32 $0x20;
	s2 =	simm.s32 $0x9880;
	v12 =	vadd.s32 v13, v12  }
.LBB2_12:
0x150: {  	p2 =	sne.s32 s16, $0x1E70;
	s7 =	sor.u32 s18, s24;
	[tilespmem:s2+$0x0] =	vst v12  }
0x151: {  	v12 =	vld [tilespmem:s7+$0x3D80]  }
0x152: {  	v13 =	vld [tilespmem:s7+$0x3D00]  }
.Ltmp7:
0x153: {  	(pc) =	sbr.rel @p2 .LBB2_12-.Ltmp7, $3  }
0x154: {  	_ =	sdelay $0x1  }
0x155: {  	s15 =	sadd.s32 $0x20, s15;
	s2 =	sadd.s32 $0x10, s2;
	v12 =	vshll.u32 v12, $0xB  }
0x156: {  	s18 =	sand.u32 $0x70, s16;
	s16 =	sadd.s32 $0x10, s16;
	s24 =	sand.u32 $0x3F00, s15;
	v12 =	vadd.s32 v13, v12  }
0x157: {  	s7 =	sor.u32 s18, s24;
	[tilespmem:s2+$0x0] =	vst v12  }
0x158: {  	v12 =	vld [tilespmem:s7+$0x3D80]  }
0x159: {  	v13 =	vld [tilespmem:s7+$0x3D00];
	_ =	sdelay $0x3  }
0x15a: {  	v12 =	vshll.u32 v12, $0xB  }
0x15b: {  	s7 =	sadd.s32 $0x10, s2;
	v12 =	vadd.s32 v13, v12  }
0x15c: {  	[tilespmem:s7+$0x0] =	vst v12  }
0x15d: {  	_ =	swait.ge [sflag:s26], $0x1E80  }
0x15e: {  	[sflag:s26] =	ssyncset.done $0x0  }
0x15f: {  	[sflag:s26] =	ssyncadd.s32 $0xFFFFE180  }
0x160: {  	[tilespmem:s29], [sflag:$0x4] =	stream.indirect.gather [hbm4b:s1+s21], $0x1, s28, s21, $0xb8;
	[tilespmem:$0x17680] =	vst v63  }
0x161: {  	s15 =	simm.s32 $0x0;
	_ =	swait.ge [sflag:s0], $0x3D00  }
0x162: {  	s16 =	sand.u32 $0x70, s15;
	s2 =	sand.u32 $0x3F00, s15;
	[sflag:s0] =	ssyncset.done $0x0  }
0x163: {  	s15 =	sor.u32 s16, s2;
	[sflag:s0] =	ssyncadd.s32 $0xFFFFC300  }
0x164: {  	v12 =	vld [tilespmem:s15+$0x0]  }
0x165: {  	v13 =	vld [tilespmem:s15+$0x80]  }
0x166: {  	s16 =	simm.s32 $0xB700  }
0x167: {  	v14 =	vld [tilespmem:s16+$0x0];
	_ =	sdelay $0x2  }
0x168: {  	v12 =	vcvt.s32.f32 v12;
	v13 =	vcvt.s32.f32 v13;
	_ =	sdelay $0x1  }
0x169: {  	v12 =	vmul.f32 v12, v14;
	v13 =	vmul.f32 v13, v14;
	_ =	sdelay $0x1  }
0x16a: {  	v15 =	vmul.f32 v12, v11;
	v16 =	vmul.f32 v13, v10;
	_ =	sdelay $0x1  }
0x16b: {  	v62 =	vmul.f32 v14, v9;
	v15 =	vadd.f32 v16, v15;
	_ =	sdelay $0x1  }
0x16c: {  	v15 =	vadd.f32 v15, v62;
	_ =	sdelay $0x1  }
0x16d: {  	v15 =	vadd.f32 v15, v8;
	_ =	sdelay $0x1  }
0x16e: {  	(erf) = vrcp.f32 v15  }
0x16f: {  	v63 =	vmul.f32 v13, v4;
	v13 =	vmul.f32 v13, v5  }
0x170: {  	v15 =	vmul.f32 v12, v7;
	v12 =	vmul.f32 v12, v6  }
0x171: {  	v17 =	vmul.f32 v14, v2  }
0x172: {  	v15 =	vadd.f32 v63, v15;
	v12 =	vadd.f32 v13, v12;
	v13 =	vmul.f32 v14, v3;
	_ =	sdelay $0x1  }
0x173: {  	v14 =	vadd.f32 v15, v17;
	v12 =	vadd.f32 v12, v13;
	_ =	sdelay $0x1  }
0x174: {  	s18 =	simm.s32 $0x10;
	s2 =	simm.s32 $0x20;
	v14 =	vadd.f32 v14, v1;
	v12 =	vadd.f32 v12, v0  }
0x175: {  	s24 =	sand.u32 $0x3F00, s2;
	s7 =	sand.u32 $0x70, s18;
	v15 =	vpop (erf)  }
0x176: {  	s18 =	simm.s32 $0x20;
	s24 =	sor.u32 s7, s24;
	v13 =	vmul.f32 v15, v12;
	v12 =	vmul.f32 v15, v14  }
.LBB2_14:
0x177: {  	p2 =	sne.s32 s18, $0x1E70;
	v14 =	vld [tilespmem:s24+$0x0]  }
0x178: {  	v15 =	vld [tilespmem:s24+$0x80];
	[tilespmem:s15+$0xF400] =	vst v13  }
0x179: {  	s16 =	sadd.s32 $0x10, s16;
	[tilespmem:s15+$0xF480] =	vst v12;
	s15 =	smov.u32 s24  }
0x17a: {  	v12 =	vld [tilespmem:s16+$0x0];
	_ =	sdelay $0x2  }
0x17b: {  	v13 =	vcvt.s32.f32 v14;
	v14 =	vcvt.s32.f32 v15;
	_ =	sdelay $0x1  }
0x17c: {  	v13 =	vmul.f32 v13, v12;
	v14 =	vmul.f32 v14, v12  }
0x17d: {  	v15 =	vmul.f32 v12, v2  }
0x17e: {  	v16 =	vmul.f32 v13, v11;
	v17 =	vmul.f32 v14, v10  }
0x17f: {  	v18 =	vmul.f32 v13, v7;
	v19 =	vmul.f32 v14, v4  }
0x180: {  	v16 =	vadd.f32 v17, v16;
	v17 =	vmul.f32 v12, v9  }
0x181: {  	v18 =	vadd.f32 v19, v18  }
0x182: {  	v16 =	vadd.f32 v16, v17  }
0x183: {  	v15 =	vadd.f32 v18, v15  }
0x184: {  	v16 =	vadd.f32 v16, v8  }
0x185: {  	v15 =	vadd.f32 v15, v1  }
0x186: {  	(erf) = vrcp.f32 v16;
	_ =	sdelay $0x1  }
0x187: {  	v13 =	vmul.f32 v13, v6;
	v14 =	vmul.f32 v14, v5;
	_ =	sdelay $0x1  }
0x188: {  	v13 =	vadd.f32 v14, v13;
	v12 =	vmul.f32 v12, v3;
	_ =	sdelay $0x1  }
.Ltmp8:
0x189: {  	v12 =	vadd.f32 v13, v12;
	(pc) =	sbr.rel @p2 .LBB2_14-.Ltmp8, $4  }
0x18a: {  	_ = 	snop  }
0x18b: {  	s2 =	sadd.s32 $0x20, s2;
	v12 =	vadd.f32 v12, v0  }
0x18c: {  	s7 =	sand.u32 $0x70, s18;
	s24 =	sand.u32 $0x3F00, s2;
	v14 =	vpop (erf)  }
0x18d: {  	s18 =	sadd.s32 $0x10, s18;
	s24 =	sor.u32 s7, s24;
	v13 =	vmul.f32 v14, v12;
	v12 =	vmul.f32 v14, v15  }
0x18e: {  	v14 =	vld [tilespmem:s24+$0x0]  }
0x18f: {  	v15 =	vld [tilespmem:s24+$0x80];
	[tilespmem:s15+$0xF400] =	vst v13  }
0x190: {  	s2 =	sadd.s32 $0x10, s16;
	[tilespmem:s15+$0xF480] =	vst v12  }
0x191: {  	v12 =	vld [tilespmem:s2+$0x0];
	_ =	sdelay $0x2  }
0x192: {  	v13 =	vcvt.s32.f32 v14;
	v14 =	vcvt.s32.f32 v15;
	_ =	sdelay $0x1  }
0x193: {  	v13 =	vmul.f32 v13, v12;
	v14 =	vmul.f32 v14, v12;
	_ =	sdelay $0x1  }
0x194: {  	v15 =	vmul.f32 v13, v11;
	v16 =	vmul.f32 v14, v10;
	_ =	sdelay $0x1  }
0x195: {  	v58 =	vmul.f32 v12, v9;
	v15 =	vadd.f32 v16, v15;
	_ =	sdelay $0x1  }
0x196: {  	v15 =	vadd.f32 v15, v58;
	_ =	sdelay $0x1  }
0x197: {  	v15 =	vadd.f32 v15, v8;
	_ =	sdelay $0x1  }
0x198: {  	(erf) = vrcp.f32 v15  }
0x199: {  	v59 =	vmul.f32 v14, v5;
	v15 =	vmul.f32 v13, v6  }
0x19a: {  	v60 =	vmul.f32 v12, v3  }
0x19b: {  	v14 =	vmul.f32 v14, v4;
	v13 =	vmul.f32 v13, v7;
	v15 =	vadd.f32 v59, v15;
	_ =	sdelay $0x1  }
0x19c: {  	v12 =	vmul.f32 v12, v2;
	v13 =	vadd.f32 v14, v13;
	v14 =	vadd.f32 v15, v60;
	_ =	sdelay $0x1  }
0x19d: {  	v12 =	vadd.f32 v13, v12  }
0x19e: {  	v13 =	vadd.f32 v14, v0  }
0x19f: {  	v12 =	vadd.f32 v12, v1;
	v14 =	vpop (erf)  }
0x1a0: {  	v13 =	vmul.f32 v14, v13  }
0x1a1: {  	v12 =	vmul.f32 v14, v12  }
0x1a2: {  	[tilespmem:s24+$0xF400] =	vst v13  }
0x1a3: {  	s18 =	simm.s32 $0x0;
	[tilespmem:s24+$0xF480] =	vst v12  }
0x1a4: {  	[hbm4b:s13+s18] =	stream.linear.scatter [tilespmem:s30], [sflag:$0x5], $0x3D00, $0x38;
	[tilespmem:$0x17680] =	vst v63  }
0x1a5: {  	_ =	swait.ge [sflag:s31], $0x1E80  }
0x1a6: {  	[sflag:s31] =	ssyncset.done $0x0  }
0x1a7: {  	[sflag:s31] =	ssyncadd.s32 $0xFFFFE180  }
0x1a8: {  	_ =	swait.ge [sflag:s5], $0x3D00  }
0x1a9: {  	s7 =	sand.u32 $0x70, s18;
	s2 =	sand.u32 $0x3F00, s18;
	[sflag:s5] =	ssyncset.done $0x0  }
0x1aa: {  	s15 =	sor.u32 s7, s2;
	[sflag:s5] =	ssyncadd.s32 $0xFFFFC300  }
0x1ab: {  	v12 =	vld [tilespmem:s15+$0x3D00]  }
0x1ac: {  	v13 =	vld [tilespmem:s15+$0x3D80]  }
0x1ad: {  	s16 =	simm.s32 $0xD580  }
0x1ae: {  	v14 =	vld [tilespmem:s16+$0x0];
	_ =	sdelay $0x2  }
0x1af: {  	v12 =	vcvt.s32.f32 v12;
	v13 =	vcvt.s32.f32 v13;
	_ =	sdelay $0x1  }
0x1b0: {  	v12 =	vmul.f32 v12, v14;
	v13 =	vmul.f32 v13, v14;
	_ =	sdelay $0x1  }
0x1b1: {  	v15 =	vmul.f32 v12, v11;
	v61 =	vmul.f32 v13, v10;
	_ =	sdelay $0x1  }
0x1b2: {  	v62 =	vmul.f32 v14, v9;
	v15 =	vadd.f32 v61, v15;
	_ =	sdelay $0x1  }
0x1b3: {  	v15 =	vadd.f32 v15, v62;
	_ =	sdelay $0x1  }
0x1b4: {  	v15 =	vadd.f32 v15, v8;
	_ =	sdelay $0x1  }
0x1b5: {  	(erf) = vrcp.f32 v15  }
0x1b6: {  	v63 =	vmul.f32 v13, v4;
	v13 =	vmul.f32 v13, v5  }
0x1b7: {  	v15 =	vmul.f32 v12, v7;
	v12 =	vmul.f32 v12, v6  }
0x1b8: {  	v17 =	vmul.f32 v14, v2  }
0x1b9: {  	v15 =	vadd.f32 v63, v15;
	v12 =	vadd.f32 v13, v12;
	v13 =	vmul.f32 v14, v3;
	_ =	sdelay $0x1  }
0x1ba: {  	v14 =	vadd.f32 v15, v17;
	v12 =	vadd.f32 v12, v13;
	_ =	sdelay $0x1  }
0x1bb: {  	s2 =	simm.s32 $0x20;
	s24 =	simm.s32 $0x10;
	v14 =	vadd.f32 v14, v1;
	v12 =	vadd.f32 v12, v0  }
0x1bc: {  	s7 =	sand.u32 $0x70, s24;
	s18 =	sand.u32 $0x3F00, s2;
	v15 =	vpop (erf)  }
0x1bd: {  	s24 =	sor.u32 s7, s18;
	s18 =	simm.s32 $0x20;
	v13 =	vmul.f32 v15, v12;
	v12 =	vmul.f32 v15, v14  }
.LBB2_16:
0x1be: {  	p2 =	sne.s32 s18, $0x1E70;
	v14 =	vld [tilespmem:s24+$0x3D00]  }
0x1bf: {  	v15 =	vld [tilespmem:s24+$0x3D80];
	[tilespmem:s15+$0x13100] =	vst v13  }
0x1c0: {  	s16 =	sadd.s32 $0x10, s16;
	[tilespmem:s15+$0x13180] =	vst v12;
	s15 =	smov.u32 s24  }
0x1c1: {  	v12 =	vld [tilespmem:s16+$0x0];
	_ =	sdelay $0x2  }
0x1c2: {  	v13 =	vcvt.s32.f32 v14;
	v14 =	vcvt.s32.f32 v15;
	_ =	sdelay $0x1  }
0x1c3: {  	v13 =	vmul.f32 v13, v12;
	v14 =	vmul.f32 v14, v12  }
0x1c4: {  	v15 =	vmul.f32 v12, v2  }
0x1c5: {  	v16 =	vmul.f32 v13, v11;
	v17 =	vmul.f32 v14, v10  }
0x1c6: {  	v18 =	vmul.f32 v13, v7;
	v19 =	vmul.f32 v14, v4  }
0x1c7: {  	v16 =	vadd.f32 v17, v16;
	v17 =	vmul.f32 v12, v9  }
0x1c8: {  	v18 =	vadd.f32 v19, v18  }
0x1c9: {  	v16 =	vadd.f32 v16, v17  }
0x1ca: {  	v15 =	vadd.f32 v18, v15  }
0x1cb: {  	v16 =	vadd.f32 v16, v8  }
0x1cc: {  	v15 =	vadd.f32 v15, v1  }
0x1cd: {  	(erf) = vrcp.f32 v16;
	_ =	sdelay $0x1  }
0x1ce: {  	v13 =	vmul.f32 v13, v6;
	v14 =	vmul.f32 v14, v5;
	_ =	sdelay $0x1  }
0x1cf: {  	v13 =	vadd.f32 v14, v13;
	v12 =	vmul.f32 v12, v3;
	_ =	sdelay $0x1  }
.Ltmp9:
0x1d0: {  	v12 =	vadd.f32 v13, v12;
	(pc) =	sbr.rel @p2 .LBB2_16-.Ltmp9, $4  }
0x1d1: {  	_ = 	snop  }
0x1d2: {  	s2 =	sadd.s32 $0x20, s2;
	v12 =	vadd.f32 v12, v0  }
0x1d3: {  	s7 =	sand.u32 $0x70, s18;
	s24 =	sand.u32 $0x3F00, s2;
	v14 =	vpop (erf)  }
0x1d4: {  	s18 =	sadd.s32 $0x10, s18;
	s24 =	sor.u32 s7, s24;
	v13 =	vmul.f32 v14, v12;
	v12 =	vmul.f32 v14, v15  }
0x1d5: {  	v14 =	vld [tilespmem:s24+$0x3D00]  }
0x1d6: {  	v15 =	vld [tilespmem:s24+$0x3D80];
	[tilespmem:s15+$0x13100] =	vst v13  }
0x1d7: {  	s2 =	sadd.s32 $0x10, s16;
	[tilespmem:s15+$0x13180] =	vst v12  }
0x1d8: {  	v12 =	vld [tilespmem:s2+$0x0];
	_ =	sdelay $0x2  }
0x1d9: {  	v54 =	vcvt.s32.f32 v14;
	v55 =	vcvt.s32.f32 v15;
	_ =	sdelay $0x1  }
0x1da: {  	v13 =	vmul.f32 v54, v12;
	v14 =	vmul.f32 v55, v12;
	_ =	sdelay $0x1  }
0x1db: {  	v56 =	vmul.f32 v13, v11;
	v16 =	vmul.f32 v14, v10;
	_ =	sdelay $0x1  }
0x1dc: {  	v57 =	vmul.f32 v12, v9;
	v15 =	vadd.f32 v16, v56;
	_ =	sdelay $0x1  }
0x1dd: {  	v15 =	vadd.f32 v15, v57;
	_ =	sdelay $0x1  }
0x1de: {  	v15 =	vadd.f32 v15, v8;
	_ =	sdelay $0x1  }
0x1df: {  	(erf) = vrcp.f32 v15;
	_ =	sdelay $0x1  }
0x1e0: {  	v58 =	vmul.f32 v13, v6;
	v59 =	vmul.f32 v14, v5  }
0x1e1: {  	v13 =	vmul.f32 v13, v7;
	v14 =	vmul.f32 v14, v4  }
0x1e2: {  	v60 =	vmul.f32 v12, v3;
	v15 =	vadd.f32 v59, v58  }
0x1e3: {  	v12 =	vmul.f32 v12, v2;
	v13 =	vadd.f32 v14, v13  }
0x1e4: {  	v61 =	vadd.f32 v15, v60  }
0x1e5: {  	v12 =	vadd.f32 v13, v12  }
0x1e6: {  	v62 =	vadd.f32 v61, v0  }
0x1e7: {  	v12 =	vadd.f32 v12, v1;
	v63 =	vpop (erf)  }
0x1e8: {  	v13 =	vmul.f32 v63, v62  }
0x1e9: {  	v12 =	vmul.f32 v63, v12  }
0x1ea: {  	[tilespmem:s24+$0x13100] =	vst v13  }
0x1eb: {  	[tilespmem:s24+$0x13180] =	vst v12  }
0x1ec: {  	[hbm4b:s14+s4] =	stream.linear.scatter [tilespmem:s3], [sflag:$0x6], $0x3D00, $0x38;
	[tilespmem:$0x17680] =	vst v63  }
0x1ed: {  	_ =	swait.ge [sflag:s0], $0x3D00  }
.Ltmp10:
0x1ee: {  	[sflag:s0] =	ssyncset.done $0x0;
	(pc) =	sbr.rel @p0 .LBB2_24-.Ltmp10, $4  }
0x1ef: {  	[sflag:s0] =	ssyncadd.s32 $0xFFFFC300  }
0x1f0: {  	_ =	swait.ge [sflag:s5], $0x3D00  }
0x1f1: {  	[sflag:s5] =	ssyncset.done $0x0  }
0x1f2: {  	[sflag:s5] =	ssyncadd.s32 $0xFFFFC300  }
.Ltmp11:
0x1f3: {  	(pc) =	sbr.rel @p1 .LBB2_25-.Ltmp11, $1  }
0x1f4: {  	_ =	sdelay $0x3  }
0x1f5: {  	s2 =	simm.s32 $0x0;
	s7 =	rddreg [dreg:$0x9]  }
0x1f6: {  	[tilespmem:s2], [sflag:$0x7] =	stream.linear.gather [hbm4b:s7+s2], $0x400, $0x38;
	[tilespmem:$0x17680] =	vst v63  }
0x1f7: {  	_ =	swait.ge [sflag:s19], $0x400  }
0x1f8: {  	s18 =	sand.u32 $0x70, s2;
	s2 =	sand.u32 $0x300, s2;
	[sflag:s19] =	ssyncset.done $0x0  }
0x1f9: {  	s2 =	sor.u32 s18, s2;
	[sflag:s19] =	ssyncadd.s32 $0xFFFFFC00  }
0x1fa: {  	v12 =	vld [tilespmem:s2+$0x80]  }
0x1fb: {  	v13 =	vld [tilespmem:s2+$0x0];
	_ =	sdelay $0x3  }
0x1fc: {  	s24 =	simm.s32 $0x10;
	s15 =	simm.s32 $0x20;
	s16 =	simm.s32 $0x20;
	v12 =	vshll.u32 v12, $0xB  }
0x1fd: {  	s18 =	sand.u32 $0x70, s24;
	s24 =	sand.u32 $0x300, s15;
	s2 =	simm.s32 $0x7A00;
	v12 =	vadd.s32 v13, v12  }
.LBB2_20:
0x1fe: {  	p2 =	sne.s32 s16, $0x1F0;
	s7 =	sor.u32 s18, s24;
	[tilespmem:s2+$0x0] =	vst v12  }
0x1ff: {  	v12 =	vld [tilespmem:s7+$0x80]  }
0x200: {  	v13 =	vld [tilespmem:s7+$0x0]  }
.Ltmp12:
0x201: {  	(pc) =	sbr.rel @p2 .LBB2_20-.Ltmp12, $3  }
0x202: {  	_ =	sdelay $0x1  }
0x203: {  	s15 =	sadd.s32 $0x20, s15;
	s2 =	sadd.s32 $0x10, s2;
	v12 =	vshll.u32 v12, $0xB  }
0x204: {  	s18 =	sand.u32 $0x70, s16;
	s16 =	sadd.s32 $0x10, s16;
	s24 =	sand.u32 $0x300, s15;
	v12 =	vadd.s32 v13, v12  }
0x205: {  	s7 =	sor.u32 s18, s24;
	[tilespmem:s2+$0x0] =	vst v12  }
0x206: {  	v12 =	vld [tilespmem:s7+$0x80]  }
0x207: {  	v13 =	vld [tilespmem:s7+$0x0];
	_ =	sdelay $0x3  }
0x208: {  	v12 =	vshll.u32 v12, $0xB  }
0x209: {  	s18 =	sadd.s32 $0x10, s2;
	v12 =	vadd.s32 v13, v12  }
0x20a: {  	s15 =	simm.s32 $0xB700;
	s24 =	simm.s32 $0x200;
	[tilespmem:s18+$0x0] =	vst v12  }
0x20b: {  	[tilespmem:s15], [sflag:$0x3] =	stream.indirect.gather [hbm4b:s1+s24], $0x1, s22, s24, $0xb8;
	[tilespmem:$0x17680] =	vst v63  }
0x20c: {  	s7 =	simm.s32 $0x0;
	_ =	swait.ge [sflag:s26], $0x200  }
0x20d: {  	s16 =	sand.u32 $0x70, s7;
	s2 =	sand.u32 $0x300, s7;
	[sflag:s26] =	ssyncset.done $0x0  }
0x20e: {  	s16 =	sor.u32 s16, s2;
	[sflag:s26] =	ssyncadd.s32 $0xFFFFFE00  }
0x20f: {  	v12 =	vld [tilespmem:s16+$0x0]  }
0x210: {  	v13 =	vld [tilespmem:s16+$0x80];
	_ =	sdelay $0x1  }
0x211: {  	v14 =	vld [tilespmem:s15+$0x0];
	_ =	sdelay $0x2  }
0x212: {  	v12 =	vcvt.s32.f32 v12;
	v13 =	vcvt.s32.f32 v13;
	_ =	sdelay $0x1  }
0x213: {  	v12 =	vmul.f32 v12, v14;
	v13 =	vmul.f32 v13, v14;
	_ =	sdelay $0x1  }
0x214: {  	v15 =	vmul.f32 v12, v11;
	v16 =	vmul.f32 v13, v10;
	_ =	sdelay $0x1  }
0x215: {  	v62 =	vmul.f32 v14, v9;
	v15 =	vadd.f32 v16, v15;
	_ =	sdelay $0x1  }
0x216: {  	v15 =	vadd.f32 v15, v62;
	_ =	sdelay $0x1  }
0x217: {  	v15 =	vadd.f32 v15, v8;
	_ =	sdelay $0x1  }
0x218: {  	(erf) = vrcp.f32 v15  }
0x219: {  	v63 =	vmul.f32 v13, v4;
	v13 =	vmul.f32 v13, v5  }
0x21a: {  	v15 =	vmul.f32 v12, v7;
	v12 =	vmul.f32 v12, v6  }
0x21b: {  	v17 =	vmul.f32 v14, v2  }
0x21c: {  	v15 =	vadd.f32 v63, v15;
	v12 =	vadd.f32 v13, v12;
	v13 =	vmul.f32 v14, v3;
	_ =	sdelay $0x1  }
0x21d: {  	v14 =	vadd.f32 v15, v17;
	v12 =	vadd.f32 v12, v13;
	_ =	sdelay $0x1  }
0x21e: {  	s2 =	simm.s32 $0x20;
	s18 =	simm.s32 $0x10;
	v14 =	vadd.f32 v14, v1;
	v12 =	vadd.f32 v12, v0  }
0x21f: {  	s7 =	sand.u32 $0x70, s18;
	s24 =	sand.u32 $0x300, s2;
	v15 =	vpop (erf)  }
0x220: {  	s18 =	simm.s32 $0x20;
	s24 =	sor.u32 s7, s24;
	v13 =	vmul.f32 v15, v12;
	v12 =	vmul.f32 v15, v14  }
.LBB2_22:
0x221: {  	p2 =	sne.s32 s18, $0x1F0;
	v14 =	vld [tilespmem:s24+$0x0]  }
0x222: {  	v15 =	vld [tilespmem:s24+$0x80];
	[tilespmem:s16+$0xF400] =	vst v13  }
0x223: {  	s15 =	sadd.s32 $0x10, s15;
	[tilespmem:s16+$0xF480] =	vst v12;
	s16 =	smov.u32 s24  }
0x224: {  	v12 =	vld [tilespmem:s15+$0x0];
	_ =	sdelay $0x2  }
0x225: {  	v13 =	vcvt.s32.f32 v14;
	v14 =	vcvt.s32.f32 v15;
	_ =	sdelay $0x1  }
0x226: {  	v13 =	vmul.f32 v13, v12;
	v14 =	vmul.f32 v14, v12  }
0x227: {  	v15 =	vmul.f32 v12, v2  }
0x228: {  	v16 =	vmul.f32 v13, v11;
	v17 =	vmul.f32 v14, v10  }
0x229: {  	v18 =	vmul.f32 v13, v7;
	v19 =	vmul.f32 v14, v4  }
0x22a: {  	v16 =	vadd.f32 v17, v16;
	v17 =	vmul.f32 v12, v9  }
0x22b: {  	v18 =	vadd.f32 v19, v18  }
0x22c: {  	v16 =	vadd.f32 v16, v17  }
0x22d: {  	v15 =	vadd.f32 v18, v15  }
0x22e: {  	v16 =	vadd.f32 v16, v8  }
0x22f: {  	v15 =	vadd.f32 v15, v1  }
0x230: {  	(erf) = vrcp.f32 v16;
	_ =	sdelay $0x1  }
0x231: {  	v13 =	vmul.f32 v13, v6;
	v14 =	vmul.f32 v14, v5;
	_ =	sdelay $0x1  }
0x232: {  	v13 =	vadd.f32 v14, v13;
	v12 =	vmul.f32 v12, v3;
	_ =	sdelay $0x1  }
.Ltmp13:
0x233: {  	v12 =	vadd.f32 v13, v12;
	(pc) =	sbr.rel @p2 .LBB2_22-.Ltmp13, $4  }
0x234: {  	_ = 	snop  }
0x235: {  	s2 =	sadd.s32 $0x20, s2;
	v12 =	vadd.f32 v12, v0  }
0x236: {  	s7 =	sand.u32 $0x70, s18;
	s24 =	sand.u32 $0x300, s2;
	v14 =	vpop (erf)  }
0x237: {  	s18 =	sadd.s32 $0x10, s18;
	s24 =	sor.u32 s7, s24;
	v13 =	vmul.f32 v14, v12;
	v12 =	vmul.f32 v14, v15  }
0x238: {  	v14 =	vld [tilespmem:s24+$0x0]  }
0x239: {  	v15 =	vld [tilespmem:s24+$0x80];
	[tilespmem:s16+$0xF400] =	vst v13  }
0x23a: {  	s2 =	sadd.s32 $0x10, s15;
	[tilespmem:s16+$0xF480] =	vst v12  }
0x23b: {  	v12 =	vld [tilespmem:s2+$0x0];
	_ =	sdelay $0x2  }
0x23c: {  	v61 =	vcvt.s32.f32 v14;
	v62 =	vcvt.s32.f32 v15;
	_ =	sdelay $0x1  }
0x23d: {  	v13 =	vmul.f32 v61, v12;
	v14 =	vmul.f32 v62, v12;
	_ =	sdelay $0x1  }
0x23e: {  	v11 =	vmul.f32 v13, v11;
	v10 =	vmul.f32 v14, v10;
	_ =	sdelay $0x1  }
0x23f: {  	v9 =	vmul.f32 v12, v9;
	v10 =	vadd.f32 v10, v11;
	_ =	sdelay $0x1  }
0x240: {  	v9 =	vadd.f32 v10, v9;
	_ =	sdelay $0x1  }
0x241: {  	v8 =	vadd.f32 v9, v8;
	_ =	sdelay $0x1  }
0x242: {  	(erf) = vrcp.f32 v8;
	_ =	sdelay $0x1  }
0x243: {  	v6 =	vmul.f32 v13, v6;
	v5 =	vmul.f32 v14, v5  }
0x244: {  	v7 =	vmul.f32 v13, v7;
	v4 =	vmul.f32 v14, v4  }
0x245: {  	v3 =	vmul.f32 v12, v3;
	v5 =	vadd.f32 v5, v6  }
0x246: {  	v2 =	vmul.f32 v12, v2;
	v4 =	vadd.f32 v4, v7  }
0x247: {  	v3 =	vadd.f32 v5, v3  }
0x248: {  	v2 =	vadd.f32 v4, v2  }
0x249: {  	v0 =	vadd.f32 v3, v0  }
0x24a: {  	v1 =	vadd.f32 v2, v1;
	v63 =	vpop (erf)  }
0x24b: {  	v0 =	vmul.f32 v63, v0  }
0x24c: {  	v1 =	vmul.f32 v63, v1  }
0x24d: {  	[tilespmem:s24+$0xF400] =	vst v0  }
.Ltmp14:
0x24e: {  	[tilespmem:s24+$0xF480] =	vst v1;
	s24 =	rddreg [dreg:$0xa];
	(pc) =	sbr.rel .LBB2_25-.Ltmp14, $4  }
0x24f: {  	[hbm4b:s24+s4] =	stream.linear.scatter [tilespmem:s30], [sflag:$0x7], $0x400, $0x38;
	[tilespmem:$0x17680] =	vst v63  }
0x250: {  	_ =	swait.ge [sflag:s19], $0x400  }
0x251: {  	[sflag:s19] =	ssyncset.done $0x0  }
0x252: {  	[sflag:s19] =	ssyncadd.s32 $0xFFFFFC00  }
.LBB2_26:
0x253: {  	_ =	sfence.sel $0x180000  }
0x254: {  	[bflag:$0x0] =	sbarrier.arrive $0xFFFF  }
0x255: {  	_ =	strace $0x90000047  }
0x256: {  	s0 =	stileid.u32;
	[bflag:$0x2] =	sbarrier.arrive $0xFFFF  }
0x257: {  	p0 =	sne.s32 s0, $0x0;
	s0 =	rddreg [dreg:$0x5]  }
0x258: {  	s0 =	sadd.s32 @!p0 $0x100000, s0  }
0x259: {  	[sflag:s0] =	ssyncadd.tile.s32 @!p0 $0x1;
	_ =	shalt  }
.Lfunc_end2:
_tile_overlayer_lowered:
.L_overlay_start_2:
0x25a: {  	(tag) =	ssettag $0x2  }
0x25b: {  	s0 =	rddreg [dreg:$0x0];
	s2 =	stileid.u32  }
0x25c: {  	s1 =	rddreg [dreg:$0x1];
	p0 =	sne.s32 s2, $0x0  }
0x25d: {  	s3 =	rddreg [dreg:$0x2];
	[bflag:$0x3] =	sbarrier.arrive $0xFFFF;
	s2 =	simm.s32 @!p0 $0x1C07  }
0x25e: {  	[timem:s3], [sflag:s2] =	dma.local @!p0 [hbm:s0], s1  }
0x25f: {  	s0 =	simm.s32 @!p0 $0x7  }
0x260: {  	_ =	swait.ge @!p0 [sflag:s0], s1  }
0x261: {  	s1 =	ssub.s32 @!p0 $0x0, s1;
	[sflag:s0] =	ssyncset.done @!p0 $0x0  }
0x262: {  	[sflag:s0] =	ssyncadd.s32 @!p0 s1  }
0x263: {  	[bflag:$0x3] =	sbarrier.arrive $0xFFFF  }
0x264: {  	_ =	shalt  }

</sc_bundles>
